<compile_context>
chip_gen: v7x
topology: tpu7x:2x2x1
jax: 0.10.2.dev20260603
libtpu: 0.0.44.dev20260713+nightly
codegen_flags: <defaults>
</compile_context>

<pallas_src>
import jax
import jax.numpy as jnp
from jax import lax
from jax.experimental import pallas as pl
from jax.experimental.pallas import tpu as pltpu
from jax.experimental.pallas import tpu_sc as plsc

_SRC_X = 2048
_SRC_Y = 2048
_ROWS = 4096
_COLS = 4096
_NC = 2
_NS = 16
_NW = _NC * _NS
_RPW = _ROWS // _NW
_CH = 4
_NBUF = 7
_LAG = 3
_NCHUNK = _RPW // _CH

_SRC_W = _SRC_X // _RPW
_SRC_CHUNK = (_SRC_X % _RPW) // _CH
_SRC_R = _SRC_X % _CH
_SRC_LANE_BASE = (_SRC_Y // 16) * 16
_SRC_LANE = _SRC_Y % 16


def _sc_body(b_hbm, bt_hbm, o_hbm, *scratch):
    bufs = scratch[:_NBUF]
    btv = scratch[_NBUF]
    sin = scratch[_NBUF + 1 : _NBUF + 1 + _NBUF]
    sout = scratch[_NBUF + 1 + _NBUF :]

    wid = lax.axis_index("s") * _NC + lax.axis_index("c")
    row0 = wid * _RPW

    def in_cp(g):
        return pltpu.make_async_copy(
            b_hbm.at[pl.ds(row0 + g * _CH, _CH), :], bufs[g % _NBUF], sin[g % _NBUF]
        )

    def out_cp(g):
        return pltpu.make_async_copy(
            bufs[g % _NBUF], o_hbm.at[pl.ds(row0 + g * _CH, _CH), :], sout[g % _NBUF]
        )

    pltpu.sync_copy(bt_hbm, btv.at[pl.ds(0, 1)])

    for g in range(_NBUF):
        in_cp(g).start()

    for g in range(_NCHUNK):
        in_cp(g).wait()
        if g == _SRC_CHUNK:
            @pl.when(wid == _SRC_W)
            def _():
                buf = bufs[g % _NBUF]
                cur = buf[_SRC_R, pl.ds(_SRC_LANE_BASE, 16)]
                lane = lax.iota(jnp.int32, 16)
                buf[_SRC_R, pl.ds(_SRC_LANE_BASE, 16)] = jnp.where(
                    lane == _SRC_LANE, btv[...], cur
                )
        out_cp(g).start()
        h = g - _LAG
        if 0 <= h and h + _NBUF < _NCHUNK:
            out_cp(h).wait()
            in_cp(h + _NBUF).start()

    for g in range(_NCHUNK - _NBUF, _NCHUNK):
        out_cp(g).wait()


def kernel(B, Bt):
    mesh = plsc.VectorSubcoreMesh(core_axis_name="c", subcore_axis_name="s")
    scratch = (
        [pltpu.VMEM((_CH, _COLS), jnp.float32) for _ in range(_NBUF)]
        + [pltpu.VMEM((16,), jnp.float32)]
        + [pltpu.SemaphoreType.DMA for _ in range(2 * _NBUF)]
    )
    f = pl.kernel(
        _sc_body,
        out_type=jax.ShapeDtypeStruct((_ROWS, _COLS), jnp.float32),
        mesh=mesh,
        scratch_types=scratch,
    )
    out = f(B.reshape(_ROWS, _COLS), Bt.reshape(1))
    return out.reshape(1, _ROWS, _COLS)

# --- scband reference (transcript-rebuilt; emitter-appended) ---
"""Pipeline reference for scband-wave-source-30803505446927 (READ-ONLY COPY).

The authoritative reference and input builder live on the scoring server;
editing this copy changes nothing except your own understanding.
"""

import jax, jax.numpy as jnp
import numpy as np

# WaveSource buffers from init_kwargs
SRC_X = 2048
SRC_Y = 2048


def setup_inputs(seed: int = 0) -> dict:
    key = jax.random.key(seed)
    k1, k2 = jax.random.split(key)
    B = jax.random.normal(k1, (1, 4096, 4096), dtype=jnp.float32)
    Bt = jax.random.normal(k2, (1, 1), dtype=jnp.float32)
    return {"B": B, "Bt": Bt}


def reference(B, Bt):
    # Faithful translation of: B[0, self.x, self.y] = Bt[0, 0]; return B
    # In JAX this is a functional scatter-overwrite producing an updated copy of B.
    B_out = B.at[0, SRC_X, SRC_Y].set(Bt[0, 0])
    return B_out

if __name__ == "__main__":
    import jax
    _d = setup_inputs()
    print(jax.jit(kernel)(*tuple(_d.values())))

</pallas_src>

<mosaic_0001>
#map = affine_map<(d0, d1) -> (0, 0)>
#map1 = affine_map<(d0, d1) -> (0)>
module attributes {stable_mosaic.version = 14 : i64} {
  func.func @_sc_body(%arg0: i32, %arg1: i32, %arg2: memref<4096x4096xf32, #tpu.memory_space<hbm>>, %arg3: memref<1xf32, #tpu.memory_space<hbm>>, %arg4: memref<4096x4096xf32, #tpu.memory_space<hbm>>, %arg5: memref<4x4096xf32, #tpu.memory_space<vmem>>, %arg6: memref<4x4096xf32, #tpu.memory_space<vmem>>, %arg7: memref<4x4096xf32, #tpu.memory_space<vmem>>, %arg8: memref<4x4096xf32, #tpu.memory_space<vmem>>, %arg9: memref<4x4096xf32, #tpu.memory_space<vmem>>, %arg10: memref<4x4096xf32, #tpu.memory_space<vmem>>, %arg11: memref<4x4096xf32, #tpu.memory_space<vmem>>, %arg12: memref<16xf32, #tpu.memory_space<vmem>>, %arg13: memref<!tpu.dma_semaphore, #tpu.memory_space<semaphore_mem>>, %arg14: memref<!tpu.dma_semaphore, #tpu.memory_space<semaphore_mem>>, %arg15: memref<!tpu.dma_semaphore, #tpu.memory_space<semaphore_mem>>, %arg16: memref<!tpu.dma_semaphore, #tpu.memory_space<semaphore_mem>>, %arg17: memref<!tpu.dma_semaphore, #tpu.memory_space<semaphore_mem>>, %arg18: memref<!tpu.dma_semaphore, #tpu.memory_space<semaphore_mem>>, %arg19: memref<!tpu.dma_semaphore, #tpu.memory_space<semaphore_mem>>, %arg20: memref<!tpu.dma_semaphore, #tpu.memory_space<semaphore_mem>>, %arg21: memref<!tpu.dma_semaphore, #tpu.memory_space<semaphore_mem>>, %arg22: memref<!tpu.dma_semaphore, #tpu.memory_space<semaphore_mem>>, %arg23: memref<!tpu.dma_semaphore, #tpu.memory_space<semaphore_mem>>, %arg24: memref<!tpu.dma_semaphore, #tpu.memory_space<semaphore_mem>>, %arg25: memref<!tpu.dma_semaphore, #tpu.memory_space<semaphore_mem>>, %arg26: memref<!tpu.dma_semaphore, #tpu.memory_space<semaphore_mem>>) attributes {dimension_semantics = [#tpu.dimension_semantics<core_parallel>, #tpu.dimension_semantics<subcore_parallel>], iteration_bounds = array<i64: 2, 16>, scalar_prefetch = 0 : i64, scratch_operands = 22 : i64, tpu.core_type = #tpu.core_type<sc_vector_subcore>, window_params = [{transform_indices = #map}, {transform_indices = #map1}, {transform_indices = #map}]} {
    %mul3A = arith.constant 2 : i32
    %mul3A_0 = arith.muli %arg1, %mul3A : i32
    %add3A = arith.addi %mul3A_0, %arg0 : i32
    %mul3A_1 = arith.constant 128 : i32
    %mul3A_2 = arith.muli %add3A, %mul3A_1 : i32
    "tpu.region"() ({
      %run_scoped3A = tpu.sem_alloc : memref<!tpu.dma_semaphore, #tpu.memory_space<semaphore_mem>>
      %dma_start3A_771 = arith.constant 0 : i32
      %dma_start3A_772 = tpu.memref_slice %arg12[%dma_start3A_771] : memref<16xf32, #tpu.memory_space<vmem>> -> memref<1xf32, #tpu.memory_space<vmem>>
      %dma_start3A_773 = arith.constant 0 : i32
      %dma_start3A_774 = tpu.memref_slice %arg12[%dma_start3A_773] : memref<16xf32, #tpu.memory_space<vmem>> -> memref<1xf32, #tpu.memory_space<vmem>>
      tpu.enqueue_dma source(%arg3 : memref<1xf32, #tpu.memory_space<hbm>>) target(%dma_start3A_774 : memref<1xf32, #tpu.memory_space<vmem>>) target_semaphore(%run_scoped3A : memref<!tpu.dma_semaphore, #tpu.memory_space<semaphore_mem>>)
      %dma_wait3A_775 = arith.constant 0 : i32
      %dma_wait3A_776 = tpu.memref_slice %arg12[%dma_wait3A_775] : memref<16xf32, #tpu.memory_space<vmem>> -> memref<1xf32, #tpu.memory_space<vmem>>
      %dma_wait3A_777 = arith.constant 0 : i32
      %dma_wait3A_778 = tpu.memref_slice %arg12[%dma_wait3A_777] : memref<16xf32, #tpu.memory_space<vmem>> -> memref<1xf32, #tpu.memory_space<vmem>>
      tpu.wait_dma2 semaphore(%run_scoped3A : memref<!tpu.dma_semaphore, #tpu.memory_space<semaphore_mem>>) src(%arg3 : memref<1xf32, #tpu.memory_space<hbm>>) dst(%dma_wait3A_778 : memref<1xf32, #tpu.memory_space<vmem>>)
      tpu.yield
    }) : () -> ()
    %add3A_3 = arith.constant 0 : i32
    %add3A_4 = arith.addi %mul3A_2, %add3A_3 : i32
    %dma_start3A = arith.constant 0 : i32
    %dma_start3A_5 = tpu.memref_slice %arg2[%add3A_4, %dma_start3A] : memref<4096x4096xf32, #tpu.memory_space<hbm>> -> memref<4x4096xf32, #tpu.memory_space<hbm>>
    %dma_start3A_6 = arith.constant 0 : i32
    %dma_start3A_7 = tpu.memref_slice %arg2[%add3A_4, %dma_start3A_6] : memref<4096x4096xf32, #tpu.memory_space<hbm>> -> memref<4x4096xf32, #tpu.memory_space<hbm>>
    tpu.enqueue_dma source(%dma_start3A_7 : memref<4x4096xf32, #tpu.memory_space<hbm>>) target(%arg5 : memref<4x4096xf32, #tpu.memory_space<vmem>>) target_semaphore(%arg13 : memref<!tpu.dma_semaphore, #tpu.memory_space<semaphore_mem>>)
    %add3A_8 = arith.constant 4 : i32
    %add3A_9 = arith.addi %mul3A_2, %add3A_8 : i32
    %dma_start3A_10 = arith.constant 0 : i32
    %dma_start3A_11 = tpu.memref_slice %arg2[%add3A_9, %dma_start3A_10] : memref<4096x4096xf32, #tpu.memory_space<hbm>> -> memref<4x4096xf32, #tpu.memory_space<hbm>>
    %dma_start3A_12 = arith.constant 0 : i32
    %dma_start3A_13 = tpu.memref_slice %arg2[%add3A_9, %dma_start3A_12] : memref<4096x4096xf32, #tpu.memory_space<hbm>> -> memref<4x4096xf32, #tpu.memory_space<hbm>>
    tpu.enqueue_dma source(%dma_start3A_13 : memref<4x4096xf32, #tpu.memory_space<hbm>>) target(%arg6 : memref<4x4096xf32, #tpu.memory_space<vmem>>) target_semaphore(%arg14 : memref<!tpu.dma_semaphore, #tpu.memory_space<semaphore_mem>>)
    %add3A_14 = arith.constant 8 : i32
    %add3A_15 = arith.addi %mul3A_2, %add3A_14 : i32
    %dma_start3A_16 = arith.constant 0 : i32
    %dma_start3A_17 = tpu.memref_slice %arg2[%add3A_15, %dma_start3A_16] : memref<4096x4096xf32, #tpu.memory_space<hbm>> -> memref<4x4096xf32, #tpu.memory_space<hbm>>
    %dma_start3A_18 = arith.constant 0 : i32
    %dma_start3A_19 = tpu.memref_slice %arg2[%add3A_15, %dma_start3A_18] : memref<4096x4096xf32, #tpu.memory_space<hbm>> -> memref<4x4096xf32, #tpu.memory_space<hbm>>
    tpu.enqueue_dma source(%dma_start3A_19 : memref<4x4096xf32, #tpu.memory_space<hbm>>) target(%arg7 : memref<4x4096xf32, #tpu.memory_space<vmem>>) target_semaphore(%arg15 : memref<!tpu.dma_semaphore, #tpu.memory_space<semaphore_mem>>)
    %add3A_20 = arith.constant 12 : i32
    %add3A_21 = arith.addi %mul3A_2, %add3A_20 : i32
    %dma_start3A_22 = arith.constant 0 : i32
    %dma_start3A_23 = tpu.memref_slice %arg2[%add3A_21, %dma_start3A_22] : memref<4096x4096xf32, #tpu.memory_space<hbm>> -> memref<4x4096xf32, #tpu.memory_space<hbm>>
    %dma_start3A_24 = arith.constant 0 : i32
    %dma_start3A_25 = tpu.memref_slice %arg2[%add3A_21, %dma_start3A_24] : memref<4096x4096xf32, #tpu.memory_space<hbm>> -> memref<4x4096xf32, #tpu.memory_space<hbm>>
    tpu.enqueue_dma source(%dma_start3A_25 : memref<4x4096xf32, #tpu.memory_space<hbm>>) target(%arg8 : memref<4x4096xf32, #tpu.memory_space<vmem>>) target_semaphore(%arg16 : memref<!tpu.dma_semaphore, #tpu.memory_space<semaphore_mem>>)
    %add3A_26 = arith.constant 16 : i32
    %add3A_27 = arith.addi %mul3A_2, %add3A_26 : i32
    %dma_start3A_28 = arith.constant 0 : i32
    %dma_start3A_29 = tpu.memref_slice %arg2[%add3A_27, %dma_start3A_28] : memref<4096x4096xf32, #tpu.memory_space<hbm>> -> memref<4x4096xf32, #tpu.memory_space<hbm>>
    %dma_start3A_30 = arith.constant 0 : i32
    %dma_start3A_31 = tpu.memref_slice %arg2[%add3A_27, %dma_start3A_30] : memref<4096x4096xf32, #tpu.memory_space<hbm>> -> memref<4x4096xf32, #tpu.memory_space<hbm>>
    tpu.enqueue_dma source(%dma_start3A_31 : memref<4x4096xf32, #tpu.memory_space<hbm>>) target(%arg9 : memref<4x4096xf32, #tpu.memory_space<vmem>>) target_semaphore(%arg17 : memref<!tpu.dma_semaphore, #tpu.memory_space<semaphore_mem>>)
    %add3A_32 = arith.constant 20 : i32
    %add3A_33 = arith.addi %mul3A_2, %add3A_32 : i32
    %dma_start3A_34 = arith.constant 0 : i32
    %dma_start3A_35 = tpu.memref_slice %arg2[%add3A_33, %dma_start3A_34] : memref<4096x4096xf32, #tpu.memory_space<hbm>> -> memref<4x4096xf32, #tpu.memory_space<hbm>>
    %dma_start3A_36 = arith.constant 0 : i32
    %dma_start3A_37 = tpu.memref_slice %arg2[%add3A_33, %dma_start3A_36] : memref<4096x4096xf32, #tpu.memory_space<hbm>> -> memref<4x4096xf32, #tpu.memory_space<hbm>>
    tpu.enqueue_dma source(%dma_start3A_37 : memref<4x4096xf32, #tpu.memory_space<hbm>>) target(%arg10 : memref<4x4096xf32, #tpu.memory_space<vmem>>) target_semaphore(%arg18 : memref<!tpu.dma_semaphore, #tpu.memory_space<semaphore_mem>>)
    %add3A_38 = arith.constant 24 : i32
    %add3A_39 = arith.addi %mul3A_2, %add3A_38 : i32
    %dma_start3A_40 = arith.constant 0 : i32
    %dma_start3A_41 = tpu.memref_slice %arg2[%add3A_39, %dma_start3A_40] : memref<4096x4096xf32, #tpu.memory_space<hbm>> -> memref<4x4096xf32, #tpu.memory_space<hbm>>
    %dma_start3A_42 = arith.constant 0 : i32
    %dma_start3A_43 = tpu.memref_slice %arg2[%add3A_39, %dma_start3A_42] : memref<4096x4096xf32, #tpu.memory_space<hbm>> -> memref<4x4096xf32, #tpu.memory_space<hbm>>
    tpu.enqueue_dma source(%dma_start3A_43 : memref<4x4096xf32, #tpu.memory_space<hbm>>) target(%arg11 : memref<4x4096xf32, #tpu.memory_space<vmem>>) target_semaphore(%arg19 : memref<!tpu.dma_semaphore, #tpu.memory_space<semaphore_mem>>)
    %add3A_44 = arith.constant 0 : i32
    %add3A_45 = arith.addi %mul3A_2, %add3A_44 : i32
    %dma_wait3A = arith.constant 0 : i32
    %dma_wait3A_46 = tpu.memref_slice %arg2[%add3A_45, %dma_wait3A] : memref<4096x4096xf32, #tpu.memory_space<hbm>> -> memref<4x4096xf32, #tpu.memory_space<hbm>>
    %dma_wait3A_47 = arith.constant 0 : i32
    %dma_wait3A_48 = tpu.memref_slice %arg2[%add3A_45, %dma_wait3A_47] : memref<4096x4096xf32, #tpu.memory_space<hbm>> -> memref<4x4096xf32, #tpu.memory_space<hbm>>
    tpu.wait_dma2 semaphore(%arg13 : memref<!tpu.dma_semaphore, #tpu.memory_space<semaphore_mem>>) src(%dma_wait3A_48 : memref<4x4096xf32, #tpu.memory_space<hbm>>) dst(%arg5 : memref<4x4096xf32, #tpu.memory_space<vmem>>)
    %eq3A = arith.constant 16 : i32
    %eq3A_49 = arith.cmpi eq, %add3A, %eq3A : i32
    %convert_element_type3A = arith.extui %eq3A_49 : i1 to i32
    %cond3A = arith.constant 0 : i32
    %cond3A_50 = arith.cmpi ne, %convert_element_type3A, %cond3A : i32
    scf.if %cond3A_50 {
      %get3A = arith.constant 0 : i32
      %get3A_771 = arith.index_cast %get3A : i32 to index
      %get3A_772 = arith.constant 2048 : index
      %get3A_773 = tpu.vector_load %arg5[%get3A_771, %get3A_772] {strides = array<i32>} : memref<4x4096xf32, #tpu.memory_space<vmem>>, vector<1x16xf32>,
      %get3A_774 = vector.shape_cast %get3A_773 : vector<1x16xf32> to vector<16xf32>
      %iota3A = tpu.iota {dimensions = array<i32: 0>} : vector<16xi32>
      %eq3A_775 = arith.constant 0 : i32
      %eq3A_776 = vector.broadcast %eq3A_775 : i32 to vector<16xi32>
      %eq3A_777 = arith.cmpi eq, %iota3A, %eq3A_776 : vector<16xi32>
      %get3A_778 = arith.constant 0 : index
      %get3A_779 = tpu.vector_load %arg12[%get3A_778] {strides = array<i32>} : memref<16xf32, #tpu.memory_space<vmem>>, vector<16xf32>,
      %get3A_780 = vector.shape_cast %get3A_779 : vector<16xf32> to vector<16xf32>
      %select_n3A = arith.select %eq3A_777, %get3A_780, %get3A_774 : vector<16xi1>, vector<16xf32>
      %swap3A = arith.constant 0 : i32
      %swap3A_781 = arith.index_cast %swap3A : i32 to index
      %swap3A_782 = arith.constant 2048 : index
      %swap3A_783 = tpu.vector_load %arg5[%swap3A_781, %swap3A_782] {strides = array<i32>} : memref<4x4096xf32, #tpu.memory_space<vmem>>, vector<1x16xf32>,
      %swap3A_784 = vector.shape_cast %swap3A_783 : vector<1x16xf32> to vector<16xf32>
      %swap3A_785 = vector.shape_cast %select_n3A : vector<16xf32> to vector<1x16xf32>
      tpu.vector_store %arg5[%swap3A_781, %swap3A_782], %swap3A_785 {strides = array<i32>} : memref<4x4096xf32, #tpu.memory_space<vmem>>, vector<1x16xf32>,
    } else {
    }
    %add3A_51 = arith.constant 0 : i32
    %add3A_52 = arith.addi %mul3A_2, %add3A_51 : i32
    %dma_start3A_53 = arith.constant 0 : i32
    %dma_start3A_54 = tpu.memref_slice %arg4[%add3A_52, %dma_start3A_53] : memref<4096x4096xf32, #tpu.memory_space<hbm>> -> memref<4x4096xf32, #tpu.memory_space<hbm>>
    %dma_start3A_55 = arith.constant 0 : i32
    %dma_start3A_56 = tpu.memref_slice %arg4[%add3A_52, %dma_start3A_55] : memref<4096x4096xf32, #tpu.memory_space<hbm>> -> memref<4x4096xf32, #tpu.memory_space<hbm>>
    tpu.enqueue_dma source(%arg5 : memref<4x4096xf32, #tpu.memory_space<vmem>>) target(%dma_start3A_56 : memref<4x4096xf32, #tpu.memory_space<hbm>>) target_semaphore(%arg20 : memref<!tpu.dma_semaphore, #tpu.memory_space<semaphore_mem>>)
    %add3A_57 = arith.constant 4 : i32
    %add3A_58 = arith.addi %mul3A_2, %add3A_57 : i32
    %dma_wait3A_59 = arith.constant 0 : i32
    %dma_wait3A_60 = tpu.memref_slice %arg2[%add3A_58, %dma_wait3A_59] : memref<4096x4096xf32, #tpu.memory_space<hbm>> -> memref<4x4096xf32, #tpu.memory_space<hbm>>
    %dma_wait3A_61 = arith.constant 0 : i32
    %dma_wait3A_62 = tpu.memref_slice %arg2[%add3A_58, %dma_wait3A_61] : memref<4096x4096xf32, #tpu.memory_space<hbm>> -> memref<4x4096xf32, #tpu.memory_space<hbm>>
    tpu.wait_dma2 semaphore(%arg14 : memref<!tpu.dma_semaphore, #tpu.memory_space<semaphore_mem>>) src(%dma_wait3A_62 : memref<4x4096xf32, #tpu.memory_space<hbm>>) dst(%arg6 : memref<4x4096xf32, #tpu.memory_space<vmem>>)
    %add3A_63 = arith.constant 4 : i32
    %add3A_64 = arith.addi %mul3A_2, %add3A_63 : i32
    %dma_start3A_65 = arith.constant 0 : i32
    %dma_start3A_66 = tpu.memref_slice %arg4[%add3A_64, %dma_start3A_65] : memref<4096x4096xf32, #tpu.memory_space<hbm>> -> memref<4x4096xf32, #tpu.memory_space<hbm>>
    %dma_start3A_67 = arith.constant 0 : i32
    %dma_start3A_68 = tpu.memref_slice %arg4[%add3A_64, %dma_start3A_67] : memref<4096x4096xf32, #tpu.memory_space<hbm>> -> memref<4x4096xf32, #tpu.memory_space<hbm>>
    tpu.enqueue_dma source(%arg6 : memref<4x4096xf32, #tpu.memory_space<vmem>>) target(%dma_start3A_68 : memref<4x4096xf32, #tpu.memory_space<hbm>>) target_semaphore(%arg21 : memref<!tpu.dma_semaphore, #tpu.memory_space<semaphore_mem>>)
    %add3A_69 = arith.constant 8 : i32
    %add3A_70 = arith.addi %mul3A_2, %add3A_69 : i32
    %dma_wait3A_71 = arith.constant 0 : i32
    %dma_wait3A_72 = tpu.memref_slice %arg2[%add3A_70, %dma_wait3A_71] : memref<4096x4096xf32, #tpu.memory_space<hbm>> -> memref<4x4096xf32, #tpu.memory_space<hbm>>
    %dma_wait3A_73 = arith.constant 0 : i32
    %dma_wait3A_74 = tpu.memref_slice %arg2[%add3A_70, %dma_wait3A_73] : memref<4096x4096xf32, #tpu.memory_space<hbm>> -> memref<4x4096xf32, #tpu.memory_space<hbm>>
    tpu.wait_dma2 semaphore(%arg15 : memref<!tpu.dma_semaphore, #tpu.memory_space<semaphore_mem>>) src(%dma_wait3A_74 : memref<4x4096xf32, #tpu.memory_space<hbm>>) dst(%arg7 : memref<4x4096xf32, #tpu.memory_space<vmem>>)
    %add3A_75 = arith.constant 8 : i32
    %add3A_76 = arith.addi %mul3A_2, %add3A_75 : i32
    %dma_start3A_77 = arith.constant 0 : i32
    %dma_start3A_78 = tpu.memref_slice %arg4[%add3A_76, %dma_start3A_77] : memref<4096x4096xf32, #tpu.memory_space<hbm>> -> memref<4x4096xf32, #tpu.memory_space<hbm>>
    %dma_start3A_79 = arith.constant 0 : i32
    %dma_start3A_80 = tpu.memref_slice %arg4[%add3A_76, %dma_start3A_79] : memref<4096x4096xf32, #tpu.memory_space<hbm>> -> memref<4x4096xf32, #tpu.memory_space<hbm>>
    tpu.enqueue_dma source(%arg7 : memref<4x4096xf32, #tpu.memory_space<vmem>>) target(%dma_start3A_80 : memref<4x4096xf32, #tpu.memory_space<hbm>>) target_semaphore(%arg22 : memref<!tpu.dma_semaphore, #tpu.memory_space<semaphore_mem>>)
    %add3A_81 = arith.constant 12 : i32
    %add3A_82 = arith.addi %mul3A_2, %add3A_81 : i32
    %dma_wait3A_83 = arith.constant 0 : i32
    %dma_wait3A_84 = tpu.memref_slice %arg2[%add3A_82, %dma_wait3A_83] : memref<4096x4096xf32, #tpu.memory_space<hbm>> -> memref<4x4096xf32, #tpu.memory_space<hbm>>
    %dma_wait3A_85 = arith.constant 0 : i32
    %dma_wait3A_86 = tpu.memref_slice %arg2[%add3A_82, %dma_wait3A_85] : memref<4096x4096xf32, #tpu.memory_space<hbm>> -> memref<4x4096xf32, #tpu.memory_space<hbm>>
    tpu.wait_dma2 semaphore(%arg16 : memref<!tpu.dma_semaphore, #tpu.memory_space<semaphore_mem>>) src(%dma_wait3A_86 : memref<4x4096xf32, #tpu.memory_space<hbm>>) dst(%arg8 : memref<4x4096xf32, #tpu.memory_space<vmem>>)
    %add3A_87 = arith.constant 12 : i32
    %add3A_88 = arith.addi %mul3A_2, %add3A_87 : i32
    %dma_start3A_89 = arith.constant 0 : i32
    %dma_start3A_90 = tpu.memref_slice %arg4[%add3A_88, %dma_start3A_89] : memref<4096x4096xf32, #tpu.memory_space<hbm>> -> memref<4x4096xf32, #tpu.memory_space<hbm>>
    %dma_start3A_91 = arith.constant 0 : i32
    %dma_start3A_92 = tpu.memref_slice %arg4[%add3A_88, %dma_start3A_91] : memref<4096x4096xf32, #tpu.memory_space<hbm>> -> memref<4x4096xf32, #tpu.memory_space<hbm>>
    tpu.enqueue_dma source(%arg8 : memref<4x4096xf32, #tpu.memory_space<vmem>>) target(%dma_start3A_92 : memref<4x4096xf32, #tpu.memory_space<hbm>>) target_semaphore(%arg23 : memref<!tpu.dma_semaphore, #tpu.memory_space<semaphore_mem>>)
    %add3A_93 = arith.constant 0 : i32
    %add3A_94 = arith.addi %mul3A_2, %add3A_93 : i32
    %dma_wait3A_95 = arith.constant 0 : i32
    %dma_wait3A_96 = tpu.memref_slice %arg4[%add3A_94, %dma_wait3A_95] : memref<4096x4096xf32, #tpu.memory_space<hbm>> -> memref<4x4096xf32, #tpu.memory_space<hbm>>
    %dma_wait3A_97 = arith.constant 0 : i32
    %dma_wait3A_98 = tpu.memref_slice %arg4[%add3A_94, %dma_wait3A_97] : memref<4096x4096xf32, #tpu.memory_space<hbm>> -> memref<4x4096xf32, #tpu.memory_space<hbm>>
    tpu.wait_dma2 semaphore(%arg20 : memref<!tpu.dma_semaphore, #tpu.memory_space<semaphore_mem>>) src(%arg5 : memref<4x4096xf32, #tpu.memory_space<vmem>>) dst(%dma_wait3A_98 : memref<4x4096xf32, #tpu.memory_space<hbm>>)
    %add3A_99 = arith.constant 28 : i32
    %add3A_100 = arith.addi %mul3A_2, %add3A_99 : i32
    %dma_start3A_101 = arith.constant 0 : i32
    %dma_start3A_102 = tpu.memref_slice %arg2[%add3A_100, %dma_start3A_101] : memref<4096x4096xf32, #tpu.memory_space<hbm>> -> memref<4x4096xf32, #tpu.memory_space<hbm>>
    %dma_start3A_103 = arith.constant 0 : i32
    %dma_start3A_104 = tpu.memref_slice %arg2[%add3A_100, %dma_start3A_103] : memref<4096x4096xf32, #tpu.memory_space<hbm>> -> memref<4x4096xf32, #tpu.memory_space<hbm>>
    tpu.enqueue_dma source(%dma_start3A_104 : memref<4x4096xf32, #tpu.memory_space<hbm>>) target(%arg5 : memref<4x4096xf32, #tpu.memory_space<vmem>>) target_semaphore(%arg13 : memref<!tpu.dma_semaphore, #tpu.memory_space<semaphore_mem>>)
    %add3A_105 = arith.constant 16 : i32
    %add3A_106 = arith.addi %mul3A_2, %add3A_105 : i32
    %dma_wait3A_107 = arith.constant 0 : i32
    %dma_wait3A_108 = tpu.memref_slice %arg2[%add3A_106, %dma_wait3A_107] : memref<4096x4096xf32, #tpu.memory_space<hbm>> -> memref<4x4096xf32, #tpu.memory_space<hbm>>
    %dma_wait3A_109 = arith.constant 0 : i32
    %dma_wait3A_110 = tpu.memref_slice %arg2[%add3A_106, %dma_wait3A_109] : memref<4096x4096xf32, #tpu.memory_space<hbm>> -> memref<4x4096xf32, #tpu.memory_space<hbm>>
    tpu.wait_dma2 semaphore(%arg17 : memref<!tpu.dma_semaphore, #tpu.memory_space<semaphore_mem>>) src(%dma_wait3A_110 : memref<4x4096xf32, #tpu.memory_space<hbm>>) dst(%arg9 : memref<4x4096xf32, #tpu.memory_space<vmem>>)
    %add3A_111 = arith.constant 16 : i32
    %add3A_112 = arith.addi %mul3A_2, %add3A_111 : i32
    %dma_start3A_113 = arith.constant 0 : i32
    %dma_start3A_114 = tpu.memref_slice %arg4[%add3A_112, %dma_start3A_113] : memref<4096x4096xf32, #tpu.memory_space<hbm>> -> memref<4x4096xf32, #tpu.memory_space<hbm>>
    %dma_start3A_115 = arith.constant 0 : i32
    %dma_start3A_116 = tpu.memref_slice %arg4[%add3A_112, %dma_start3A_115] : memref<4096x4096xf32, #tpu.memory_space<hbm>> -> memref<4x4096xf32, #tpu.memory_space<hbm>>
    tpu.enqueue_dma source(%arg9 : memref<4x4096xf32, #tpu.memory_space<vmem>>) target(%dma_start3A_116 : memref<4x4096xf32, #tpu.memory_space<hbm>>) target_semaphore(%arg24 : memref<!tpu.dma_semaphore, #tpu.memory_space<semaphore_mem>>)
    %add3A_117 = arith.constant 4 : i32
    %add3A_118 = arith.addi %mul3A_2, %add3A_117 : i32
    %dma_wait3A_119 = arith.constant 0 : i32
    %dma_wait3A_120 = tpu.memref_slice %arg4[%add3A_118, %dma_wait3A_119] : memref<4096x4096xf32, #tpu.memory_space<hbm>> -> memref<4x4096xf32, #tpu.memory_space<hbm>>
    %dma_wait3A_121 = arith.constant 0 : i32
    %dma_wait3A_122 = tpu.memref_slice %arg4[%add3A_118, %dma_wait3A_121] : memref<4096x4096xf32, #tpu.memory_space<hbm>> -> memref<4x4096xf32, #tpu.memory_space<hbm>>
    tpu.wait_dma2 semaphore(%arg21 : memref<!tpu.dma_semaphore, #tpu.memory_space<semaphore_mem>>) src(%arg6 : memref<4x4096xf32, #tpu.memory_space<vmem>>) dst(%dma_wait3A_122 : memref<4x4096xf32, #tpu.memory_space<hbm>>)
    %add3A_123 = arith.constant 32 : i32
    %add3A_124 = arith.addi %mul3A_2, %add3A_123 : i32
    %dma_start3A_125 = arith.constant 0 : i32
    %dma_start3A_126 = tpu.memref_slice %arg2[%add3A_124, %dma_start3A_125] : memref<4096x4096xf32, #tpu.memory_space<hbm>> -> memref<4x4096xf32, #tpu.memory_space<hbm>>
    %dma_start3A_127 = arith.constant 0 : i32
    %dma_start3A_128 = tpu.memref_slice %arg2[%add3A_124, %dma_start3A_127] : memref<4096x4096xf32, #tpu.memory_space<hbm>> -> memref<4x4096xf32, #tpu.memory_space<hbm>>
    tpu.enqueue_dma source(%dma_start3A_128 : memref<4x4096xf32, #tpu.memory_space<hbm>>) target(%arg6 : memref<4x4096xf32, #tpu.memory_space<vmem>>) target_semaphore(%arg14 : memref<!tpu.dma_semaphore, #tpu.memory_space<semaphore_mem>>)
    %add3A_129 = arith.constant 20 : i32
    %add3A_130 = arith.addi %mul3A_2, %add3A_129 : i32
    %dma_wait3A_131 = arith.constant 0 : i32
    %dma_wait3A_132 = tpu.memref_slice %arg2[%add3A_130, %dma_wait3A_131] : memref<4096x4096xf32, #tpu.memory_space<hbm>> -> memref<4x4096xf32, #tpu.memory_space<hbm>>
    %dma_wait3A_133 = arith.constant 0 : i32
    %dma_wait3A_134 = tpu.memref_slice %arg2[%add3A_130, %dma_wait3A_133] : memref<4096x4096xf32, #tpu.memory_space<hbm>> -> memref<4x4096xf32, #tpu.memory_space<hbm>>
    tpu.wait_dma2 semaphore(%arg18 : memref<!tpu.dma_semaphore, #tpu.memory_space<semaphore_mem>>) src(%dma_wait3A_134 : memref<4x4096xf32, #tpu.memory_space<hbm>>) dst(%arg10 : memref<4x4096xf32, #tpu.memory_space<vmem>>)
    %add3A_135 = arith.constant 20 : i32
    %add3A_136 = arith.addi %mul3A_2, %add3A_135 : i32
    %dma_start3A_137 = arith.constant 0 : i32
    %dma_start3A_138 = tpu.memref_slice %arg4[%add3A_136, %dma_start3A_137] : memref<4096x4096xf32, #tpu.memory_space<hbm>> -> memref<4x4096xf32, #tpu.memory_space<hbm>>
    %dma_start3A_139 = arith.constant 0 : i32
    %dma_start3A_140 = tpu.memref_slice %arg4[%add3A_136, %dma_start3A_139] : memref<4096x4096xf32, #tpu.memory_space<hbm>> -> memref<4x4096xf32, #tpu.memory_space<hbm>>
    tpu.enqueue_dma source(%arg10 : memref<4x4096xf32, #tpu.memory_space<vmem>>) target(%dma_start3A_140 : memref<4x4096xf32, #tpu.memory_space<hbm>>) target_semaphore(%arg25 : memref<!tpu.dma_semaphore, #tpu.memory_space<semaphore_mem>>)
    %add3A_141 = arith.constant 8 : i32
    %add3A_142 = arith.addi %mul3A_2, %add3A_141 : i32
    %dma_wait3A_143 = arith.constant 0 : i32
    %dma_wait3A_144 = tpu.memref_slice %arg4[%add3A_142, %dma_wait3A_143] : memref<4096x4096xf32, #tpu.memory_space<hbm>> -> memref<4x4096xf32, #tpu.memory_space<hbm>>
    %dma_wait3A_145 = arith.constant 0 : i32
    %dma_wait3A_146 = tpu.memref_slice %arg4[%add3A_142, %dma_wait3A_145] : memref<4096x4096xf32, #tpu.memory_space<hbm>> -> memref<4x4096xf32, #tpu.memory_space<hbm>>
    tpu.wait_dma2 semaphore(%arg22 : memref<!tpu.dma_semaphore, #tpu.memory_space<semaphore_mem>>) src(%arg7 : memref<4x4096xf32, #tpu.memory_space<vmem>>) dst(%dma_wait3A_146 : memref<4x4096xf32, #tpu.memory_space<hbm>>)
    %add3A_147 = arith.constant 36 : i32
    %add3A_148 = arith.addi %mul3A_2, %add3A_147 : i32
    %dma_start3A_149 = arith.constant 0 : i32
    %dma_start3A_150 = tpu.memref_slice %arg2[%add3A_148, %dma_start3A_149] : memref<4096x4096xf32, #tpu.memory_space<hbm>> -> memref<4x4096xf32, #tpu.memory_space<hbm>>
    %dma_start3A_151 = arith.constant 0 : i32
    %dma_start3A_152 = tpu.memref_slice %arg2[%add3A_148, %dma_start3A_151] : memref<4096x4096xf32, #tpu.memory_space<hbm>> -> memref<4x4096xf32, #tpu.memory_space<hbm>>
    tpu.enqueue_dma source(%dma_start3A_152 : memref<4x4096xf32, #tpu.memory_space<hbm>>) target(%arg7 : memref<4x4096xf32, #tpu.memory_space<vmem>>) target_semaphore(%arg15 : memref<!tpu.dma_semaphore, #tpu.memory_space<semaphore_mem>>)
    %add3A_153 = arith.constant 24 : i32
    %add3A_154 = arith.addi %mul3A_2, %add3A_153 : i32
    %dma_wait3A_155 = arith.constant 0 : i32
    %dma_wait3A_156 = tpu.memref_slice %arg2[%add3A_154, %dma_wait3A_155] : memref<4096x4096xf32, #tpu.memory_space<hbm>> -> memref<4x4096xf32, #tpu.memory_space<hbm>>
    %dma_wait3A_157 = arith.constant 0 : i32
    %dma_wait3A_158 = tpu.memref_slice %arg2[%add3A_154, %dma_wait3A_157] : memref<4096x4096xf32, #tpu.memory_space<hbm>> -> memref<4x4096xf32, #tpu.memory_space<hbm>>
    tpu.wait_dma2 semaphore(%arg19 : memref<!tpu.dma_semaphore, #tpu.memory_space<semaphore_mem>>) src(%dma_wait3A_158 : memref<4x4096xf32, #tpu.memory_space<hbm>>) dst(%arg11 : memref<4x4096xf32, #tpu.memory_space<vmem>>)
    %add3A_159 = arith.constant 24 : i32
    %add3A_160 = arith.addi %mul3A_2, %add3A_159 : i32
    %dma_start3A_161 = arith.constant 0 : i32
    %dma_start3A_162 = tpu.memref_slice %arg4[%add3A_160, %dma_start3A_161] : memref<4096x4096xf32, #tpu.memory_space<hbm>> -> memref<4x4096xf32, #tpu.memory_space<hbm>>
    %dma_start3A_163 = arith.constant 0 : i32
    %dma_start3A_164 = tpu.memref_slice %arg4[%add3A_160, %dma_start3A_163] : memref<4096x4096xf32, #tpu.memory_space<hbm>> -> memref<4x4096xf32, #tpu.memory_space<hbm>>
    tpu.enqueue_dma source(%arg11 : memref<4x4096xf32, #tpu.memory_space<vmem>>) target(%dma_start3A_164 : memref<4x4096xf32, #tpu.memory_space<hbm>>) target_semaphore(%arg26 : memref<!tpu.dma_semaphore, #tpu.memory_space<semaphore_mem>>)
    %add3A_165 = arith.constant 12 : i32
    %add3A_166 = arith.addi %mul3A_2, %add3A_165 : i32
    %dma_wait3A_167 = arith.constant 0 : i32
    %dma_wait3A_168 = tpu.memref_slice %arg4[%add3A_166, %dma_wait3A_167] : memref<4096x4096xf32, #tpu.memory_space<hbm>> -> memref<4x4096xf32, #tpu.memory_space<hbm>>
    %dma_wait3A_169 = arith.constant 0 : i32
    %dma_wait3A_170 = tpu.memref_slice %arg4[%add3A_166, %dma_wait3A_169] : memref<4096x4096xf32, #tpu.memory_space<hbm>> -> memref<4x4096xf32, #tpu.memory_space<hbm>>
    tpu.wait_dma2 semaphore(%arg23 : memref<!tpu.dma_semaphore, #tpu.memory_space<semaphore_mem>>) src(%arg8 : memref<4x4096xf32, #tpu.memory_space<vmem>>) dst(%dma_wait3A_170 : memref<4x4096xf32, #tpu.memory_space<hbm>>)
    %add3A_171 = arith.constant 40 : i32
    %add3A_172 = arith.addi %mul3A_2, %add3A_171 : i32
    %dma_start3A_173 = arith.constant 0 : i32
    %dma_start3A_174 = tpu.memref_slice %arg2[%add3A_172, %dma_start3A_173] : memref<4096x4096xf32, #tpu.memory_space<hbm>> -> memref<4x4096xf32, #tpu.memory_space<hbm>>
    %dma_start3A_175 = arith.constant 0 : i32
    %dma_start3A_176 = tpu.memref_slice %arg2[%add3A_172, %dma_start3A_175] : memref<4096x4096xf32, #tpu.memory_space<hbm>> -> memref<4x4096xf32, #tpu.memory_space<hbm>>
    tpu.enqueue_dma source(%dma_start3A_176 : memref<4x4096xf32, #tpu.memory_space<hbm>>) target(%arg8 : memref<4x4096xf32, #tpu.memory_space<vmem>>) target_semaphore(%arg16 : memref<!tpu.dma_semaphore, #tpu.memory_space<semaphore_mem>>)
    %add3A_177 = arith.constant 28 : i32
    %add3A_178 = arith.addi %mul3A_2, %add3A_177 : i32
    %dma_wait3A_179 = arith.constant 0 : i32
    %dma_wait3A_180 = tpu.memref_slice %arg2[%add3A_178, %dma_wait3A_179] : memref<4096x4096xf32, #tpu.memory_space<hbm>> -> memref<4x4096xf32, #tpu.memory_space<hbm>>
    %dma_wait3A_181 = arith.constant 0 : i32
    %dma_wait3A_182 = tpu.memref_slice %arg2[%add3A_178, %dma_wait3A_181] : memref<4096x4096xf32, #tpu.memory_space<hbm>> -> memref<4x4096xf32, #tpu.memory_space<hbm>>
    tpu.wait_dma2 semaphore(%arg13 : memref<!tpu.dma_semaphore, #tpu.memory_space<semaphore_mem>>) src(%dma_wait3A_182 : memref<4x4096xf32, #tpu.memory_space<hbm>>) dst(%arg5 : memref<4x4096xf32, #tpu.memory_space<vmem>>)
    %add3A_183 = arith.constant 28 : i32
    %add3A_184 = arith.addi %mul3A_2, %add3A_183 : i32
    %dma_start3A_185 = arith.constant 0 : i32
    %dma_start3A_186 = tpu.memref_slice %arg4[%add3A_184, %dma_start3A_185] : memref<4096x4096xf32, #tpu.memory_space<hbm>> -> memref<4x4096xf32, #tpu.memory_space<hbm>>
    %dma_start3A_187 = arith.constant 0 : i32
    %dma_start3A_188 = tpu.memref_slice %arg4[%add3A_184, %dma_start3A_187] : memref<4096x4096xf32, #tpu.memory_space<hbm>> -> memref<4x4096xf32, #tpu.memory_space<hbm>>
    tpu.enqueue_dma source(%arg5 : memref<4x4096xf32, #tpu.memory_space<vmem>>) target(%dma_start3A_188 : memref<4x4096xf32, #tpu.memory_space<hbm>>) target_semaphore(%arg20 : memref<!tpu.dma_semaphore, #tpu.memory_space<semaphore_mem>>)
    %add3A_189 = arith.constant 16 : i32
    %add3A_190 = arith.addi %mul3A_2, %add3A_189 : i32
    %dma_wait3A_191 = arith.constant 0 : i32
    %dma_wait3A_192 = tpu.memref_slice %arg4[%add3A_190, %dma_wait3A_191] : memref<4096x4096xf32, #tpu.memory_space<hbm>> -> memref<4x4096xf32, #tpu.memory_space<hbm>>
    %dma_wait3A_193 = arith.constant 0 : i32
    %dma_wait3A_194 = tpu.memref_slice %arg4[%add3A_190, %dma_wait3A_193] : memref<4096x4096xf32, #tpu.memory_space<hbm>> -> memref<4x4096xf32, #tpu.memory_space<hbm>>
    tpu.wait_dma2 semaphore(%arg24 : memref<!tpu.dma_semaphore, #tpu.memory_space<semaphore_mem>>) src(%arg9 : memref<4x4096xf32, #tpu.memory_space<vmem>>) dst(%dma_wait3A_194 : memref<4x4096xf32, #tpu.memory_space<hbm>>)
    %add3A_195 = arith.constant 44 : i32
    %add3A_196 = arith.addi %mul3A_2, %add3A_195 : i32
    %dma_start3A_197 = arith.constant 0 : i32
    %dma_start3A_198 = tpu.memref_slice %arg2[%add3A_196, %dma_start3A_197] : memref<4096x4096xf32, #tpu.memory_space<hbm>> -> memref<4x4096xf32, #tpu.memory_space<hbm>>
    %dma_start3A_199 = arith.constant 0 : i32
    %dma_start3A_200 = tpu.memref_slice %arg2[%add3A_196, %dma_start3A_199] : memref<4096x4096xf32, #tpu.memory_space<hbm>> -> memref<4x4096xf32, #tpu.memory_space<hbm>>
    tpu.enqueue_dma source(%dma_start3A_200 : memref<4x4096xf32, #tpu.memory_space<hbm>>) target(%arg9 : memref<4x4096xf32, #tpu.memory_space<vmem>>) target_semaphore(%arg17 : memref<!tpu.dma_semaphore, #tpu.memory_space<semaphore_mem>>)
    %add3A_201 = arith.constant 32 : i32
    %add3A_202 = arith.addi %mul3A_2, %add3A_201 : i32
    %dma_wait3A_203 = arith.constant 0 : i32
    %dma_wait3A_204 = tpu.memref_slice %arg2[%add3A_202, %dma_wait3A_203] : memref<4096x4096xf32, #tpu.memory_space<hbm>> -> memref<4x4096xf32, #tpu.memory_space<hbm>>
    %dma_wait3A_205 = arith.constant 0 : i32
    %dma_wait3A_206 = tpu.memref_slice %arg2[%add3A_202, %dma_wait3A_205] : memref<4096x4096xf32, #tpu.memory_space<hbm>> -> memref<4x4096xf32, #tpu.memory_space<hbm>>
    tpu.wait_dma2 semaphore(%arg14 : memref<!tpu.dma_semaphore, #tpu.memory_space<semaphore_mem>>) src(%dma_wait3A_206 : memref<4x4096xf32, #tpu.memory_space<hbm>>) dst(%arg6 : memref<4x4096xf32, #tpu.memory_space<vmem>>)
    %add3A_207 = arith.constant 32 : i32
    %add3A_208 = arith.addi %mul3A_2, %add3A_207 : i32
    %dma_start3A_209 = arith.constant 0 : i32
    %dma_start3A_210 = tpu.memref_slice %arg4[%add3A_208, %dma_start3A_209] : memref<4096x4096xf32, #tpu.memory_space<hbm>> -> memref<4x4096xf32, #tpu.memory_space<hbm>>
    %dma_start3A_211 = arith.constant 0 : i32
    %dma_start3A_212 = tpu.memref_slice %arg4[%add3A_208, %dma_start3A_211] : memref<4096x4096xf32, #tpu.memory_space<hbm>> -> memref<4x4096xf32, #tpu.memory_space<hbm>>
    tpu.enqueue_dma source(%arg6 : memref<4x4096xf32, #tpu.memory_space<vmem>>) target(%dma_start3A_212 : memref<4x4096xf32, #tpu.memory_space<hbm>>) target_semaphore(%arg21 : memref<!tpu.dma_semaphore, #tpu.memory_space<semaphore_mem>>)
    %add3A_213 = arith.constant 20 : i32
    %add3A_214 = arith.addi %mul3A_2, %add3A_213 : i32
    %dma_wait3A_215 = arith.constant 0 : i32
    %dma_wait3A_216 = tpu.memref_slice %arg4[%add3A_214, %dma_wait3A_215] : memref<4096x4096xf32, #tpu.memory_space<hbm>> -> memref<4x4096xf32, #tpu.memory_space<hbm>>
    %dma_wait3A_217 = arith.constant 0 : i32
    %dma_wait3A_218 = tpu.memref_slice %arg4[%add3A_214, %dma_wait3A_217] : memref<4096x4096xf32, #tpu.memory_space<hbm>> -> memref<4x4096xf32, #tpu.memory_space<hbm>>
    tpu.wait_dma2 semaphore(%arg25 : memref<!tpu.dma_semaphore, #tpu.memory_space<semaphore_mem>>) src(%arg10 : memref<4x4096xf32, #tpu.memory_space<vmem>>) dst(%dma_wait3A_218 : memref<4x4096xf32, #tpu.memory_space<hbm>>)
    %add3A_219 = arith.constant 48 : i32
    %add3A_220 = arith.addi %mul3A_2, %add3A_219 : i32
    %dma_start3A_221 = arith.constant 0 : i32
    %dma_start3A_222 = tpu.memref_slice %arg2[%add3A_220, %dma_start3A_221] : memref<4096x4096xf32, #tpu.memory_space<hbm>> -> memref<4x4096xf32, #tpu.memory_space<hbm>>
    %dma_start3A_223 = arith.constant 0 : i32
    %dma_start3A_224 = tpu.memref_slice %arg2[%add3A_220, %dma_start3A_223] : memref<4096x4096xf32, #tpu.memory_space<hbm>> -> memref<4x4096xf32, #tpu.memory_space<hbm>>
    tpu.enqueue_dma source(%dma_start3A_224 : memref<4x4096xf32, #tpu.memory_space<hbm>>) target(%arg10 : memref<4x4096xf32, #tpu.memory_space<vmem>>) target_semaphore(%arg18 : memref<!tpu.dma_semaphore, #tpu.memory_space<semaphore_mem>>)
    %add3A_225 = arith.constant 36 : i32
    %add3A_226 = arith.addi %mul3A_2, %add3A_225 : i32
    %dma_wait3A_227 = arith.constant 0 : i32
    %dma_wait3A_228 = tpu.memref_slice %arg2[%add3A_226, %dma_wait3A_227] : memref<4096x4096xf32, #tpu.memory_space<hbm>> -> memref<4x4096xf32, #tpu.memory_space<hbm>>
    %dma_wait3A_229 = arith.constant 0 : i32
    %dma_wait3A_230 = tpu.memref_slice %arg2[%add3A_226, %dma_wait3A_229] : memref<4096x4096xf32, #tpu.memory_space<hbm>> -> memref<4x4096xf32, #tpu.memory_space<hbm>>
    tpu.wait_dma2 semaphore(%arg15 : memref<!tpu.dma_semaphore, #tpu.memory_space<semaphore_mem>>) src(%dma_wait3A_230 : memref<4x4096xf32, #tpu.memory_space<hbm>>) dst(%arg7 : memref<4x4096xf32, #tpu.memory_space<vmem>>)
    %add3A_231 = arith.constant 36 : i32
    %add3A_232 = arith.addi %mul3A_2, %add3A_231 : i32
    %dma_start3A_233 = arith.constant 0 : i32
    %dma_start3A_234 = tpu.memref_slice %arg4[%add3A_232, %dma_start3A_233] : memref<4096x4096xf32, #tpu.memory_space<hbm>> -> memref<4x4096xf32, #tpu.memory_space<hbm>>
    %dma_start3A_235 = arith.constant 0 : i32
    %dma_start3A_236 = tpu.memref_slice %arg4[%add3A_232, %dma_start3A_235] : memref<4096x4096xf32, #tpu.memory_space<hbm>> -> memref<4x4096xf32, #tpu.memory_space<hbm>>
    tpu.enqueue_dma source(%arg7 : memref<4x4096xf32, #tpu.memory_space<vmem>>) target(%dma_start3A_236 : memref<4x4096xf32, #tpu.memory_space<hbm>>) target_semaphore(%arg22 : memref<!tpu.dma_semaphore, #tpu.memory_space<semaphore_mem>>)
    %add3A_237 = arith.constant 24 : i32
    %add3A_238 = arith.addi %mul3A_2, %add3A_237 : i32
    %dma_wait3A_239 = arith.constant 0 : i32
    %dma_wait3A_240 = tpu.memref_slice %arg4[%add3A_238, %dma_wait3A_239] : memref<4096x4096xf32, #tpu.memory_space<hbm>> -> memref<4x4096xf32, #tpu.memory_space<hbm>>
    %dma_wait3A_241 = arith.constant 0 : i32
    %dma_wait3A_242 = tpu.memref_slice %arg4[%add3A_238, %dma_wait3A_241] : memref<4096x4096xf32, #tpu.memory_space<hbm>> -> memref<4x4096xf32, #tpu.memory_space<hbm>>
    tpu.wait_dma2 semaphore(%arg26 : memref<!tpu.dma_semaphore, #tpu.memory_space<semaphore_mem>>) src(%arg11 : memref<4x4096xf32, #tpu.memory_space<vmem>>) dst(%dma_wait3A_242 : memref<4x4096xf32, #tpu.memory_space<hbm>>)
    %add3A_243 = arith.constant 52 : i32
    %add3A_244 = arith.addi %mul3A_2, %add3A_243 : i32
    %dma_start3A_245 = arith.constant 0 : i32
    %dma_start3A_246 = tpu.memref_slice %arg2[%add3A_244, %dma_start3A_245] : memref<4096x4096xf32, #tpu.memory_space<hbm>> -> memref<4x4096xf32, #tpu.memory_space<hbm>>
    %dma_start3A_247 = arith.constant 0 : i32
    %dma_start3A_248 = tpu.memref_slice %arg2[%add3A_244, %dma_start3A_247] : memref<4096x4096xf32, #tpu.memory_space<hbm>> -> memref<4x4096xf32, #tpu.memory_space<hbm>>
    tpu.enqueue_dma source(%dma_start3A_248 : memref<4x4096xf32, #tpu.memory_space<hbm>>) target(%arg11 : memref<4x4096xf32, #tpu.memory_space<vmem>>) target_semaphore(%arg19 : memref<!tpu.dma_semaphore, #tpu.memory_space<semaphore_mem>>)
    %add3A_249 = arith.constant 40 : i32
    %add3A_250 = arith.addi %mul3A_2, %add3A_249 : i32
    %dma_wait3A_251 = arith.constant 0 : i32
    %dma_wait3A_252 = tpu.memref_slice %arg2[%add3A_250, %dma_wait3A_251] : memref<4096x4096xf32, #tpu.memory_space<hbm>> -> memref<4x4096xf32, #tpu.memory_space<hbm>>
    %dma_wait3A_253 = arith.constant 0 : i32
    %dma_wait3A_254 = tpu.memref_slice %arg2[%add3A_250, %dma_wait3A_253] : memref<4096x4096xf32, #tpu.memory_space<hbm>> -> memref<4x4096xf32, #tpu.memory_space<hbm>>
    tpu.wait_dma2 semaphore(%arg16 : memref<!tpu.dma_semaphore, #tpu.memory_space<semaphore_mem>>) src(%dma_wait3A_254 : memref<4x4096xf32, #tpu.memory_space<hbm>>) dst(%arg8 : memref<4x4096xf32, #tpu.memory_space<vmem>>)
    %add3A_255 = arith.constant 40 : i32
    %add3A_256 = arith.addi %mul3A_2, %add3A_255 : i32
    %dma_start3A_257 = arith.constant 0 : i32
    %dma_start3A_258 = tpu.memref_slice %arg4[%add3A_256, %dma_start3A_257] : memref<4096x4096xf32, #tpu.memory_space<hbm>> -> memref<4x4096xf32, #tpu.memory_space<hbm>>
    %dma_start3A_259 = arith.constant 0 : i32
    %dma_start3A_260 = tpu.memref_slice %arg4[%add3A_256, %dma_start3A_259] : memref<4096x4096xf32, #tpu.memory_space<hbm>> -> memref<4x4096xf32, #tpu.memory_space<hbm>>
    tpu.enqueue_dma source(%arg8 : memref<4x4096xf32, #tpu.memory_space<vmem>>) target(%dma_start3A_260 : memref<4x4096xf32, #tpu.memory_space<hbm>>) target_semaphore(%arg23 : memref<!tpu.dma_semaphore, #tpu.memory_space<semaphore_mem>>)
    %add3A_261 = arith.constant 28 : i32
    %add3A_262 = arith.addi %mul3A_2, %add3A_261 : i32
    %dma_wait3A_263 = arith.constant 0 : i32
    %dma_wait3A_264 = tpu.memref_slice %arg4[%add3A_262, %dma_wait3A_263] : memref<4096x4096xf32, #tpu.memory_space<hbm>> -> memref<4x4096xf32, #tpu.memory_space<hbm>>
    %dma_wait3A_265 = arith.constant 0 : i32
    %dma_wait3A_266 = tpu.memref_slice %arg4[%add3A_262, %dma_wait3A_265] : memref<4096x4096xf32, #tpu.memory_space<hbm>> -> memref<4x4096xf32, #tpu.memory_space<hbm>>
    tpu.wait_dma2 semaphore(%arg20 : memref<!tpu.dma_semaphore, #tpu.memory_space<semaphore_mem>>) src(%arg5 : memref<4x4096xf32, #tpu.memory_space<vmem>>) dst(%dma_wait3A_266 : memref<4x4096xf32, #tpu.memory_space<hbm>>)
    %add3A_267 = arith.constant 56 : i32
    %add3A_268 = arith.addi %mul3A_2, %add3A_267 : i32
    %dma_start3A_269 = arith.constant 0 : i32
    %dma_start3A_270 = tpu.memref_slice %arg2[%add3A_268, %dma_start3A_269] : memref<4096x4096xf32, #tpu.memory_space<hbm>> -> memref<4x4096xf32, #tpu.memory_space<hbm>>
    %dma_start3A_271 = arith.constant 0 : i32
    %dma_start3A_272 = tpu.memref_slice %arg2[%add3A_268, %dma_start3A_271] : memref<4096x4096xf32, #tpu.memory_space<hbm>> -> memref<4x4096xf32, #tpu.memory_space<hbm>>
    tpu.enqueue_dma source(%dma_start3A_272 : memref<4x4096xf32, #tpu.memory_space<hbm>>) target(%arg5 : memref<4x4096xf32, #tpu.memory_space<vmem>>) target_semaphore(%arg13 : memref<!tpu.dma_semaphore, #tpu.memory_space<semaphore_mem>>)
    %add3A_273 = arith.constant 44 : i32
    %add3A_274 = arith.addi %mul3A_2, %add3A_273 : i32
    %dma_wait3A_275 = arith.constant 0 : i32
    %dma_wait3A_276 = tpu.memref_slice %arg2[%add3A_274, %dma_wait3A_275] : memref<4096x4096xf32, #tpu.memory_space<hbm>> -> memref<4x4096xf32, #tpu.memory_space<hbm>>
    %dma_wait3A_277 = arith.constant 0 : i32
    %dma_wait3A_278 = tpu.memref_slice %arg2[%add3A_274, %dma_wait3A_277] : memref<4096x4096xf32, #tpu.memory_space<hbm>> -> memref<4x4096xf32, #tpu.memory_space<hbm>>
    tpu.wait_dma2 semaphore(%arg17 : memref<!tpu.dma_semaphore, #tpu.memory_space<semaphore_mem>>) src(%dma_wait3A_278 : memref<4x4096xf32, #tpu.memory_space<hbm>>) dst(%arg9 : memref<4x4096xf32, #tpu.memory_space<vmem>>)
    %add3A_279 = arith.constant 44 : i32
    %add3A_280 = arith.addi %mul3A_2, %add3A_279 : i32
    %dma_start3A_281 = arith.constant 0 : i32
    %dma_start3A_282 = tpu.memref_slice %arg4[%add3A_280, %dma_start3A_281] : memref<4096x4096xf32, #tpu.memory_space<hbm>> -> memref<4x4096xf32, #tpu.memory_space<hbm>>
    %dma_start3A_283 = arith.constant 0 : i32
    %dma_start3A_284 = tpu.memref_slice %arg4[%add3A_280, %dma_start3A_283] : memref<4096x4096xf32, #tpu.memory_space<hbm>> -> memref<4x4096xf32, #tpu.memory_space<hbm>>
    tpu.enqueue_dma source(%arg9 : memref<4x4096xf32, #tpu.memory_space<vmem>>) target(%dma_start3A_284 : memref<4x4096xf32, #tpu.memory_space<hbm>>) target_semaphore(%arg24 : memref<!tpu.dma_semaphore, #tpu.memory_space<semaphore_mem>>)
    %add3A_285 = arith.constant 32 : i32
    %add3A_286 = arith.addi %mul3A_2, %add3A_285 : i32
    %dma_wait3A_287 = arith.constant 0 : i32
    %dma_wait3A_288 = tpu.memref_slice %arg4[%add3A_286, %dma_wait3A_287] : memref<4096x4096xf32, #tpu.memory_space<hbm>> -> memref<4x4096xf32, #tpu.memory_space<hbm>>
    %dma_wait3A_289 = arith.constant 0 : i32
    %dma_wait3A_290 = tpu.memref_slice %arg4[%add3A_286, %dma_wait3A_289] : memref<4096x4096xf32, #tpu.memory_space<hbm>> -> memref<4x4096xf32, #tpu.memory_space<hbm>>
    tpu.wait_dma2 semaphore(%arg21 : memref<!tpu.dma_semaphore, #tpu.memory_space<semaphore_mem>>) src(%arg6 : memref<4x4096xf32, #tpu.memory_space<vmem>>) dst(%dma_wait3A_290 : memref<4x4096xf32, #tpu.memory_space<hbm>>)
    %add3A_291 = arith.constant 60 : i32
    %add3A_292 = arith.addi %mul3A_2, %add3A_291 : i32
    %dma_start3A_293 = arith.constant 0 : i32
    %dma_start3A_294 = tpu.memref_slice %arg2[%add3A_292, %dma_start3A_293] : memref<4096x4096xf32, #tpu.memory_space<hbm>> -> memref<4x4096xf32, #tpu.memory_space<hbm>>
    %dma_start3A_295 = arith.constant 0 : i32
    %dma_start3A_296 = tpu.memref_slice %arg2[%add3A_292, %dma_start3A_295] : memref<4096x4096xf32, #tpu.memory_space<hbm>> -> memref<4x4096xf32, #tpu.memory_space<hbm>>
    tpu.enqueue_dma source(%dma_start3A_296 : memref<4x4096xf32, #tpu.memory_space<hbm>>) target(%arg6 : memref<4x4096xf32, #tpu.memory_space<vmem>>) target_semaphore(%arg14 : memref<!tpu.dma_semaphore, #tpu.memory_space<semaphore_mem>>)
    %add3A_297 = arith.constant 48 : i32
    %add3A_298 = arith.addi %mul3A_2, %add3A_297 : i32
    %dma_wait3A_299 = arith.constant 0 : i32
    %dma_wait3A_300 = tpu.memref_slice %arg2[%add3A_298, %dma_wait3A_299] : memref<4096x4096xf32, #tpu.memory_space<hbm>> -> memref<4x4096xf32, #tpu.memory_space<hbm>>
    %dma_wait3A_301 = arith.constant 0 : i32
    %dma_wait3A_302 = tpu.memref_slice %arg2[%add3A_298, %dma_wait3A_301] : memref<4096x4096xf32, #tpu.memory_space<hbm>> -> memref<4x4096xf32, #tpu.memory_space<hbm>>
    tpu.wait_dma2 semaphore(%arg18 : memref<!tpu.dma_semaphore, #tpu.memory_space<semaphore_mem>>) src(%dma_wait3A_302 : memref<4x4096xf32, #tpu.memory_space<hbm>>) dst(%arg10 : memref<4x4096xf32, #tpu.memory_space<vmem>>)
    %add3A_303 = arith.constant 48 : i32
    %add3A_304 = arith.addi %mul3A_2, %add3A_303 : i32
    %dma_start3A_305 = arith.constant 0 : i32
    %dma_start3A_306 = tpu.memref_slice %arg4[%add3A_304, %dma_start3A_305] : memref<4096x4096xf32, #tpu.memory_space<hbm>> -> memref<4x4096xf32, #tpu.memory_space<hbm>>
    %dma_start3A_307 = arith.constant 0 : i32
    %dma_start3A_308 = tpu.memref_slice %arg4[%add3A_304, %dma_start3A_307] : memref<4096x4096xf32, #tpu.memory_space<hbm>> -> memref<4x4096xf32, #tpu.memory_space<hbm>>
    tpu.enqueue_dma source(%arg10 : memref<4x4096xf32, #tpu.memory_space<vmem>>) target(%dma_start3A_308 : memref<4x4096xf32, #tpu.memory_space<hbm>>) target_semaphore(%arg25 : memref<!tpu.dma_semaphore, #tpu.memory_space<semaphore_mem>>)
    %add3A_309 = arith.constant 36 : i32
    %add3A_310 = arith.addi %mul3A_2, %add3A_309 : i32
    %dma_wait3A_311 = arith.constant 0 : i32
    %dma_wait3A_312 = tpu.memref_slice %arg4[%add3A_310, %dma_wait3A_311] : memref<4096x4096xf32, #tpu.memory_space<hbm>> -> memref<4x4096xf32, #tpu.memory_space<hbm>>
    %dma_wait3A_313 = arith.constant 0 : i32
    %dma_wait3A_314 = tpu.memref_slice %arg4[%add3A_310, %dma_wait3A_313] : memref<4096x4096xf32, #tpu.memory_space<hbm>> -> memref<4x4096xf32, #tpu.memory_space<hbm>>
    tpu.wait_dma2 semaphore(%arg22 : memref<!tpu.dma_semaphore, #tpu.memory_space<semaphore_mem>>) src(%arg7 : memref<4x4096xf32, #tpu.memory_space<vmem>>) dst(%dma_wait3A_314 : memref<4x4096xf32, #tpu.memory_space<hbm>>)
    %add3A_315 = arith.constant 64 : i32
    %add3A_316 = arith.addi %mul3A_2, %add3A_315 : i32
    %dma_start3A_317 = arith.constant 0 : i32
    %dma_start3A_318 = tpu.memref_slice %arg2[%add3A_316, %dma_start3A_317] : memref<4096x4096xf32, #tpu.memory_space<hbm>> -> memref<4x4096xf32, #tpu.memory_space<hbm>>
    %dma_start3A_319 = arith.constant 0 : i32
    %dma_start3A_320 = tpu.memref_slice %arg2[%add3A_316, %dma_start3A_319] : memref<4096x4096xf32, #tpu.memory_space<hbm>> -> memref<4x4096xf32, #tpu.memory_space<hbm>>
    tpu.enqueue_dma source(%dma_start3A_320 : memref<4x4096xf32, #tpu.memory_space<hbm>>) target(%arg7 : memref<4x4096xf32, #tpu.memory_space<vmem>>) target_semaphore(%arg15 : memref<!tpu.dma_semaphore, #tpu.memory_space<semaphore_mem>>)
    %add3A_321 = arith.constant 52 : i32
    %add3A_322 = arith.addi %mul3A_2, %add3A_321 : i32
    %dma_wait3A_323 = arith.constant 0 : i32
    %dma_wait3A_324 = tpu.memref_slice %arg2[%add3A_322, %dma_wait3A_323] : memref<4096x4096xf32, #tpu.memory_space<hbm>> -> memref<4x4096xf32, #tpu.memory_space<hbm>>
    %dma_wait3A_325 = arith.constant 0 : i32
    %dma_wait3A_326 = tpu.memref_slice %arg2[%add3A_322, %dma_wait3A_325] : memref<4096x4096xf32, #tpu.memory_space<hbm>> -> memref<4x4096xf32, #tpu.memory_space<hbm>>
    tpu.wait_dma2 semaphore(%arg19 : memref<!tpu.dma_semaphore, #tpu.memory_space<semaphore_mem>>) src(%dma_wait3A_326 : memref<4x4096xf32, #tpu.memory_space<hbm>>) dst(%arg11 : memref<4x4096xf32, #tpu.memory_space<vmem>>)
    %add3A_327 = arith.constant 52 : i32
    %add3A_328 = arith.addi %mul3A_2, %add3A_327 : i32
    %dma_start3A_329 = arith.constant 0 : i32
    %dma_start3A_330 = tpu.memref_slice %arg4[%add3A_328, %dma_start3A_329] : memref<4096x4096xf32, #tpu.memory_space<hbm>> -> memref<4x4096xf32, #tpu.memory_space<hbm>>
    %dma_start3A_331 = arith.constant 0 : i32
    %dma_start3A_332 = tpu.memref_slice %arg4[%add3A_328, %dma_start3A_331] : memref<4096x4096xf32, #tpu.memory_space<hbm>> -> memref<4x4096xf32, #tpu.memory_space<hbm>>
    tpu.enqueue_dma source(%arg11 : memref<4x4096xf32, #tpu.memory_space<vmem>>) target(%dma_start3A_332 : memref<4x4096xf32, #tpu.memory_space<hbm>>) target_semaphore(%arg26 : memref<!tpu.dma_semaphore, #tpu.memory_space<semaphore_mem>>)
    %add3A_333 = arith.constant 40 : i32
    %add3A_334 = arith.addi %mul3A_2, %add3A_333 : i32
    %dma_wait3A_335 = arith.constant 0 : i32
    %dma_wait3A_336 = tpu.memref_slice %arg4[%add3A_334, %dma_wait3A_335] : memref<4096x4096xf32, #tpu.memory_space<hbm>> -> memref<4x4096xf32, #tpu.memory_space<hbm>>
    %dma_wait3A_337 = arith.constant 0 : i32
    %dma_wait3A_338 = tpu.memref_slice %arg4[%add3A_334, %dma_wait3A_337] : memref<4096x4096xf32, #tpu.memory_space<hbm>> -> memref<4x4096xf32, #tpu.memory_space<hbm>>
    tpu.wait_dma2 semaphore(%arg23 : memref<!tpu.dma_semaphore, #tpu.memory_space<semaphore_mem>>) src(%arg8 : memref<4x4096xf32, #tpu.memory_space<vmem>>) dst(%dma_wait3A_338 : memref<4x4096xf32, #tpu.memory_space<hbm>>)
    %add3A_339 = arith.constant 68 : i32
    %add3A_340 = arith.addi %mul3A_2, %add3A_339 : i32
    %dma_start3A_341 = arith.constant 0 : i32
    %dma_start3A_342 = tpu.memref_slice %arg2[%add3A_340, %dma_start3A_341] : memref<4096x4096xf32, #tpu.memory_space<hbm>> -> memref<4x4096xf32, #tpu.memory_space<hbm>>
    %dma_start3A_343 = arith.constant 0 : i32
    %dma_start3A_344 = tpu.memref_slice %arg2[%add3A_340, %dma_start3A_343] : memref<4096x4096xf32, #tpu.memory_space<hbm>> -> memref<4x4096xf32, #tpu.memory_space<hbm>>
    tpu.enqueue_dma source(%dma_start3A_344 : memref<4x4096xf32, #tpu.memory_space<hbm>>) target(%arg8 : memref<4x4096xf32, #tpu.memory_space<vmem>>) target_semaphore(%arg16 : memref<!tpu.dma_semaphore, #tpu.memory_space<semaphore_mem>>)
    %add3A_345 = arith.constant 56 : i32
    %add3A_346 = arith.addi %mul3A_2, %add3A_345 : i32
    %dma_wait3A_347 = arith.constant 0 : i32
    %dma_wait3A_348 = tpu.memref_slice %arg2[%add3A_346, %dma_wait3A_347] : memref<4096x4096xf32, #tpu.memory_space<hbm>> -> memref<4x4096xf32, #tpu.memory_space<hbm>>
    %dma_wait3A_349 = arith.constant 0 : i32
    %dma_wait3A_350 = tpu.memref_slice %arg2[%add3A_346, %dma_wait3A_349] : memref<4096x4096xf32, #tpu.memory_space<hbm>> -> memref<4x4096xf32, #tpu.memory_space<hbm>>
    tpu.wait_dma2 semaphore(%arg13 : memref<!tpu.dma_semaphore, #tpu.memory_space<semaphore_mem>>) src(%dma_wait3A_350 : memref<4x4096xf32, #tpu.memory_space<hbm>>) dst(%arg5 : memref<4x4096xf32, #tpu.memory_space<vmem>>)
    %add3A_351 = arith.constant 56 : i32
    %add3A_352 = arith.addi %mul3A_2, %add3A_351 : i32
    %dma_start3A_353 = arith.constant 0 : i32
    %dma_start3A_354 = tpu.memref_slice %arg4[%add3A_352, %dma_start3A_353] : memref<4096x4096xf32, #tpu.memory_space<hbm>> -> memref<4x4096xf32, #tpu.memory_space<hbm>>
    %dma_start3A_355 = arith.constant 0 : i32
    %dma_start3A_356 = tpu.memref_slice %arg4[%add3A_352, %dma_start3A_355] : memref<4096x4096xf32, #tpu.memory_space<hbm>> -> memref<4x4096xf32, #tpu.memory_space<hbm>>
    tpu.enqueue_dma source(%arg5 : memref<4x4096xf32, #tpu.memory_space<vmem>>) target(%dma_start3A_356 : memref<4x4096xf32, #tpu.memory_space<hbm>>) target_semaphore(%arg20 : memref<!tpu.dma_semaphore, #tpu.memory_space<semaphore_mem>>)
    %add3A_357 = arith.constant 44 : i32
    %add3A_358 = arith.addi %mul3A_2, %add3A_357 : i32
    %dma_wait3A_359 = arith.constant 0 : i32
    %dma_wait3A_360 = tpu.memref_slice %arg4[%add3A_358, %dma_wait3A_359] : memref<4096x4096xf32, #tpu.memory_space<hbm>> -> memref<4x4096xf32, #tpu.memory_space<hbm>>
    %dma_wait3A_361 = arith.constant 0 : i32
    %dma_wait3A_362 = tpu.memref_slice %arg4[%add3A_358, %dma_wait3A_361] : memref<4096x4096xf32, #tpu.memory_space<hbm>> -> memref<4x4096xf32, #tpu.memory_space<hbm>>
    tpu.wait_dma2 semaphore(%arg24 : memref<!tpu.dma_semaphore, #tpu.memory_space<semaphore_mem>>) src(%arg9 : memref<4x4096xf32, #tpu.memory_space<vmem>>) dst(%dma_wait3A_362 : memref<4x4096xf32, #tpu.memory_space<hbm>>)
    %add3A_363 = arith.constant 72 : i32
    %add3A_364 = arith.addi %mul3A_2, %add3A_363 : i32
    %dma_start3A_365 = arith.constant 0 : i32
    %dma_start3A_366 = tpu.memref_slice %arg2[%add3A_364, %dma_start3A_365] : memref<4096x4096xf32, #tpu.memory_space<hbm>> -> memref<4x4096xf32, #tpu.memory_space<hbm>>
    %dma_start3A_367 = arith.constant 0 : i32
    %dma_start3A_368 = tpu.memref_slice %arg2[%add3A_364, %dma_start3A_367] : memref<4096x4096xf32, #tpu.memory_space<hbm>> -> memref<4x4096xf32, #tpu.memory_space<hbm>>
    tpu.enqueue_dma source(%dma_start3A_368 : memref<4x4096xf32, #tpu.memory_space<hbm>>) target(%arg9 : memref<4x4096xf32, #tpu.memory_space<vmem>>) target_semaphore(%arg17 : memref<!tpu.dma_semaphore, #tpu.memory_space<semaphore_mem>>)
    %add3A_369 = arith.constant 60 : i32
    %add3A_370 = arith.addi %mul3A_2, %add3A_369 : i32
    %dma_wait3A_371 = arith.constant 0 : i32
    %dma_wait3A_372 = tpu.memref_slice %arg2[%add3A_370, %dma_wait3A_371] : memref<4096x4096xf32, #tpu.memory_space<hbm>> -> memref<4x4096xf32, #tpu.memory_space<hbm>>
    %dma_wait3A_373 = arith.constant 0 : i32
    %dma_wait3A_374 = tpu.memref_slice %arg2[%add3A_370, %dma_wait3A_373] : memref<4096x4096xf32, #tpu.memory_space<hbm>> -> memref<4x4096xf32, #tpu.memory_space<hbm>>
    tpu.wait_dma2 semaphore(%arg14 : memref<!tpu.dma_semaphore, #tpu.memory_space<semaphore_mem>>) src(%dma_wait3A_374 : memref<4x4096xf32, #tpu.memory_space<hbm>>) dst(%arg6 : memref<4x4096xf32, #tpu.memory_space<vmem>>)
    %add3A_375 = arith.constant 60 : i32
    %add3A_376 = arith.addi %mul3A_2, %add3A_375 : i32
    %dma_start3A_377 = arith.constant 0 : i32
    %dma_start3A_378 = tpu.memref_slice %arg4[%add3A_376, %dma_start3A_377] : memref<4096x4096xf32, #tpu.memory_space<hbm>> -> memref<4x4096xf32, #tpu.memory_space<hbm>>
    %dma_start3A_379 = arith.constant 0 : i32
    %dma_start3A_380 = tpu.memref_slice %arg4[%add3A_376, %dma_start3A_379] : memref<4096x4096xf32, #tpu.memory_space<hbm>> -> memref<4x4096xf32, #tpu.memory_space<hbm>>
    tpu.enqueue_dma source(%arg6 : memref<4x4096xf32, #tpu.memory_space<vmem>>) target(%dma_start3A_380 : memref<4x4096xf32, #tpu.memory_space<hbm>>) target_semaphore(%arg21 : memref<!tpu.dma_semaphore, #tpu.memory_space<semaphore_mem>>)
    %add3A_381 = arith.constant 48 : i32
    %add3A_382 = arith.addi %mul3A_2, %add3A_381 : i32
    %dma_wait3A_383 = arith.constant 0 : i32
    %dma_wait3A_384 = tpu.memref_slice %arg4[%add3A_382, %dma_wait3A_383] : memref<4096x4096xf32, #tpu.memory_space<hbm>> -> memref<4x4096xf32, #tpu.memory_space<hbm>>
    %dma_wait3A_385 = arith.constant 0 : i32
    %dma_wait3A_386 = tpu.memref_slice %arg4[%add3A_382, %dma_wait3A_385] : memref<4096x4096xf32, #tpu.memory_space<hbm>> -> memref<4x4096xf32, #tpu.memory_space<hbm>>
    tpu.wait_dma2 semaphore(%arg25 : memref<!tpu.dma_semaphore, #tpu.memory_space<semaphore_mem>>) src(%arg10 : memref<4x4096xf32, #tpu.memory_space<vmem>>) dst(%dma_wait3A_386 : memref<4x4096xf32, #tpu.memory_space<hbm>>)
    %add3A_387 = arith.constant 76 : i32
    %add3A_388 = arith.addi %mul3A_2, %add3A_387 : i32
    %dma_start3A_389 = arith.constant 0 : i32
    %dma_start3A_390 = tpu.memref_slice %arg2[%add3A_388, %dma_start3A_389] : memref<4096x4096xf32, #tpu.memory_space<hbm>> -> memref<4x4096xf32, #tpu.memory_space<hbm>>
    %dma_start3A_391 = arith.constant 0 : i32
    %dma_start3A_392 = tpu.memref_slice %arg2[%add3A_388, %dma_start3A_391] : memref<4096x4096xf32, #tpu.memory_space<hbm>> -> memref<4x4096xf32, #tpu.memory_space<hbm>>
    tpu.enqueue_dma source(%dma_start3A_392 : memref<4x4096xf32, #tpu.memory_space<hbm>>) target(%arg10 : memref<4x4096xf32, #tpu.memory_space<vmem>>) target_semaphore(%arg18 : memref<!tpu.dma_semaphore, #tpu.memory_space<semaphore_mem>>)
    %add3A_393 = arith.constant 64 : i32
    %add3A_394 = arith.addi %mul3A_2, %add3A_393 : i32
    %dma_wait3A_395 = arith.constant 0 : i32
    %dma_wait3A_396 = tpu.memref_slice %arg2[%add3A_394, %dma_wait3A_395] : memref<4096x4096xf32, #tpu.memory_space<hbm>> -> memref<4x4096xf32, #tpu.memory_space<hbm>>
    %dma_wait3A_397 = arith.constant 0 : i32
    %dma_wait3A_398 = tpu.memref_slice %arg2[%add3A_394, %dma_wait3A_397] : memref<4096x4096xf32, #tpu.memory_space<hbm>> -> memref<4x4096xf32, #tpu.memory_space<hbm>>
    tpu.wait_dma2 semaphore(%arg15 : memref<!tpu.dma_semaphore, #tpu.memory_space<semaphore_mem>>) src(%dma_wait3A_398 : memref<4x4096xf32, #tpu.memory_space<hbm>>) dst(%arg7 : memref<4x4096xf32, #tpu.memory_space<vmem>>)
    %add3A_399 = arith.constant 64 : i32
    %add3A_400 = arith.addi %mul3A_2, %add3A_399 : i32
    %dma_start3A_401 = arith.constant 0 : i32
    %dma_start3A_402 = tpu.memref_slice %arg4[%add3A_400, %dma_start3A_401] : memref<4096x4096xf32, #tpu.memory_space<hbm>> -> memref<4x4096xf32, #tpu.memory_space<hbm>>
    %dma_start3A_403 = arith.constant 0 : i32
    %dma_start3A_404 = tpu.memref_slice %arg4[%add3A_400, %dma_start3A_403] : memref<4096x4096xf32, #tpu.memory_space<hbm>> -> memref<4x4096xf32, #tpu.memory_space<hbm>>
    tpu.enqueue_dma source(%arg7 : memref<4x4096xf32, #tpu.memory_space<vmem>>) target(%dma_start3A_404 : memref<4x4096xf32, #tpu.memory_space<hbm>>) target_semaphore(%arg22 : memref<!tpu.dma_semaphore, #tpu.memory_space<semaphore_mem>>)
    %add3A_405 = arith.constant 52 : i32
    %add3A_406 = arith.addi %mul3A_2, %add3A_405 : i32
    %dma_wait3A_407 = arith.constant 0 : i32
    %dma_wait3A_408 = tpu.memref_slice %arg4[%add3A_406, %dma_wait3A_407] : memref<4096x4096xf32, #tpu.memory_space<hbm>> -> memref<4x4096xf32, #tpu.memory_space<hbm>>
    %dma_wait3A_409 = arith.constant 0 : i32
    %dma_wait3A_410 = tpu.memref_slice %arg4[%add3A_406, %dma_wait3A_409] : memref<4096x4096xf32, #tpu.memory_space<hbm>> -> memref<4x4096xf32, #tpu.memory_space<hbm>>
    tpu.wait_dma2 semaphore(%arg26 : memref<!tpu.dma_semaphore, #tpu.memory_space<semaphore_mem>>) src(%arg11 : memref<4x4096xf32, #tpu.memory_space<vmem>>) dst(%dma_wait3A_410 : memref<4x4096xf32, #tpu.memory_space<hbm>>)
    %add3A_411 = arith.constant 80 : i32
    %add3A_412 = arith.addi %mul3A_2, %add3A_411 : i32
    %dma_start3A_413 = arith.constant 0 : i32
    %dma_start3A_414 = tpu.memref_slice %arg2[%add3A_412, %dma_start3A_413] : memref<4096x4096xf32, #tpu.memory_space<hbm>> -> memref<4x4096xf32, #tpu.memory_space<hbm>>
    %dma_start3A_415 = arith.constant 0 : i32
    %dma_start3A_416 = tpu.memref_slice %arg2[%add3A_412, %dma_start3A_415] : memref<4096x4096xf32, #tpu.memory_space<hbm>> -> memref<4x4096xf32, #tpu.memory_space<hbm>>
    tpu.enqueue_dma source(%dma_start3A_416 : memref<4x4096xf32, #tpu.memory_space<hbm>>) target(%arg11 : memref<4x4096xf32, #tpu.memory_space<vmem>>) target_semaphore(%arg19 : memref<!tpu.dma_semaphore, #tpu.memory_space<semaphore_mem>>)
    %add3A_417 = arith.constant 68 : i32
    %add3A_418 = arith.addi %mul3A_2, %add3A_417 : i32
    %dma_wait3A_419 = arith.constant 0 : i32
    %dma_wait3A_420 = tpu.memref_slice %arg2[%add3A_418, %dma_wait3A_419] : memref<4096x4096xf32, #tpu.memory_space<hbm>> -> memref<4x4096xf32, #tpu.memory_space<hbm>>
    %dma_wait3A_421 = arith.constant 0 : i32
    %dma_wait3A_422 = tpu.memref_slice %arg2[%add3A_418, %dma_wait3A_421] : memref<4096x4096xf32, #tpu.memory_space<hbm>> -> memref<4x4096xf32, #tpu.memory_space<hbm>>
    tpu.wait_dma2 semaphore(%arg16 : memref<!tpu.dma_semaphore, #tpu.memory_space<semaphore_mem>>) src(%dma_wait3A_422 : memref<4x4096xf32, #tpu.memory_space<hbm>>) dst(%arg8 : memref<4x4096xf32, #tpu.memory_space<vmem>>)
    %add3A_423 = arith.constant 68 : i32
    %add3A_424 = arith.addi %mul3A_2, %add3A_423 : i32
    %dma_start3A_425 = arith.constant 0 : i32
    %dma_start3A_426 = tpu.memref_slice %arg4[%add3A_424, %dma_start3A_425] : memref<4096x4096xf32, #tpu.memory_space<hbm>> -> memref<4x4096xf32, #tpu.memory_space<hbm>>
    %dma_start3A_427 = arith.constant 0 : i32
    %dma_start3A_428 = tpu.memref_slice %arg4[%add3A_424, %dma_start3A_427] : memref<4096x4096xf32, #tpu.memory_space<hbm>> -> memref<4x4096xf32, #tpu.memory_space<hbm>>
    tpu.enqueue_dma source(%arg8 : memref<4x4096xf32, #tpu.memory_space<vmem>>) target(%dma_start3A_428 : memref<4x4096xf32, #tpu.memory_space<hbm>>) target_semaphore(%arg23 : memref<!tpu.dma_semaphore, #tpu.memory_space<semaphore_mem>>)
    %add3A_429 = arith.constant 56 : i32
    %add3A_430 = arith.addi %mul3A_2, %add3A_429 : i32
    %dma_wait3A_431 = arith.constant 0 : i32
    %dma_wait3A_432 = tpu.memref_slice %arg4[%add3A_430, %dma_wait3A_431] : memref<4096x4096xf32, #tpu.memory_space<hbm>> -> memref<4x4096xf32, #tpu.memory_space<hbm>>
    %dma_wait3A_433 = arith.constant 0 : i32
    %dma_wait3A_434 = tpu.memref_slice %arg4[%add3A_430, %dma_wait3A_433] : memref<4096x4096xf32, #tpu.memory_space<hbm>> -> memref<4x4096xf32, #tpu.memory_space<hbm>>
    tpu.wait_dma2 semaphore(%arg20 : memref<!tpu.dma_semaphore, #tpu.memory_space<semaphore_mem>>) src(%arg5 : memref<4x4096xf32, #tpu.memory_space<vmem>>) dst(%dma_wait3A_434 : memref<4x4096xf32, #tpu.memory_space<hbm>>)
    %add3A_435 = arith.constant 84 : i32
    %add3A_436 = arith.addi %mul3A_2, %add3A_435 : i32
    %dma_start3A_437 = arith.constant 0 : i32
    %dma_start3A_438 = tpu.memref_slice %arg2[%add3A_436, %dma_start3A_437] : memref<4096x4096xf32, #tpu.memory_space<hbm>> -> memref<4x4096xf32, #tpu.memory_space<hbm>>
    %dma_start3A_439 = arith.constant 0 : i32
    %dma_start3A_440 = tpu.memref_slice %arg2[%add3A_436, %dma_start3A_439] : memref<4096x4096xf32, #tpu.memory_space<hbm>> -> memref<4x4096xf32, #tpu.memory_space<hbm>>
    tpu.enqueue_dma source(%dma_start3A_440 : memref<4x4096xf32, #tpu.memory_space<hbm>>) target(%arg5 : memref<4x4096xf32, #tpu.memory_space<vmem>>) target_semaphore(%arg13 : memref<!tpu.dma_semaphore, #tpu.memory_space<semaphore_mem>>)
    %add3A_441 = arith.constant 72 : i32
    %add3A_442 = arith.addi %mul3A_2, %add3A_441 : i32
    %dma_wait3A_443 = arith.constant 0 : i32
    %dma_wait3A_444 = tpu.memref_slice %arg2[%add3A_442, %dma_wait3A_443] : memref<4096x4096xf32, #tpu.memory_space<hbm>> -> memref<4x4096xf32, #tpu.memory_space<hbm>>
    %dma_wait3A_445 = arith.constant 0 : i32
    %dma_wait3A_446 = tpu.memref_slice %arg2[%add3A_442, %dma_wait3A_445] : memref<4096x4096xf32, #tpu.memory_space<hbm>> -> memref<4x4096xf32, #tpu.memory_space<hbm>>
    tpu.wait_dma2 semaphore(%arg17 : memref<!tpu.dma_semaphore, #tpu.memory_space<semaphore_mem>>) src(%dma_wait3A_446 : memref<4x4096xf32, #tpu.memory_space<hbm>>) dst(%arg9 : memref<4x4096xf32, #tpu.memory_space<vmem>>)
    %add3A_447 = arith.constant 72 : i32
    %add3A_448 = arith.addi %mul3A_2, %add3A_447 : i32
    %dma_start3A_449 = arith.constant 0 : i32
    %dma_start3A_450 = tpu.memref_slice %arg4[%add3A_448, %dma_start3A_449] : memref<4096x4096xf32, #tpu.memory_space<hbm>> -> memref<4x4096xf32, #tpu.memory_space<hbm>>
    %dma_start3A_451 = arith.constant 0 : i32
    %dma_start3A_452 = tpu.memref_slice %arg4[%add3A_448, %dma_start3A_451] : memref<4096x4096xf32, #tpu.memory_space<hbm>> -> memref<4x4096xf32, #tpu.memory_space<hbm>>
    tpu.enqueue_dma source(%arg9 : memref<4x4096xf32, #tpu.memory_space<vmem>>) target(%dma_start3A_452 : memref<4x4096xf32, #tpu.memory_space<hbm>>) target_semaphore(%arg24 : memref<!tpu.dma_semaphore, #tpu.memory_space<semaphore_mem>>)
    %add3A_453 = arith.constant 60 : i32
    %add3A_454 = arith.addi %mul3A_2, %add3A_453 : i32
    %dma_wait3A_455 = arith.constant 0 : i32
    %dma_wait3A_456 = tpu.memref_slice %arg4[%add3A_454, %dma_wait3A_455] : memref<4096x4096xf32, #tpu.memory_space<hbm>> -> memref<4x4096xf32, #tpu.memory_space<hbm>>
    %dma_wait3A_457 = arith.constant 0 : i32
    %dma_wait3A_458 = tpu.memref_slice %arg4[%add3A_454, %dma_wait3A_457] : memref<4096x4096xf32, #tpu.memory_space<hbm>> -> memref<4x4096xf32, #tpu.memory_space<hbm>>
    tpu.wait_dma2 semaphore(%arg21 : memref<!tpu.dma_semaphore, #tpu.memory_space<semaphore_mem>>) src(%arg6 : memref<4x4096xf32, #tpu.memory_space<vmem>>) dst(%dma_wait3A_458 : memref<4x4096xf32, #tpu.memory_space<hbm>>)
    %add3A_459 = arith.constant 88 : i32
    %add3A_460 = arith.addi %mul3A_2, %add3A_459 : i32
    %dma_start3A_461 = arith.constant 0 : i32
    %dma_start3A_462 = tpu.memref_slice %arg2[%add3A_460, %dma_start3A_461] : memref<4096x4096xf32, #tpu.memory_space<hbm>> -> memref<4x4096xf32, #tpu.memory_space<hbm>>
    %dma_start3A_463 = arith.constant 0 : i32
    %dma_start3A_464 = tpu.memref_slice %arg2[%add3A_460, %dma_start3A_463] : memref<4096x4096xf32, #tpu.memory_space<hbm>> -> memref<4x4096xf32, #tpu.memory_space<hbm>>
    tpu.enqueue_dma source(%dma_start3A_464 : memref<4x4096xf32, #tpu.memory_space<hbm>>) target(%arg6 : memref<4x4096xf32, #tpu.memory_space<vmem>>) target_semaphore(%arg14 : memref<!tpu.dma_semaphore, #tpu.memory_space<semaphore_mem>>)
    %add3A_465 = arith.constant 76 : i32
    %add3A_466 = arith.addi %mul3A_2, %add3A_465 : i32
    %dma_wait3A_467 = arith.constant 0 : i32
    %dma_wait3A_468 = tpu.memref_slice %arg2[%add3A_466, %dma_wait3A_467] : memref<4096x4096xf32, #tpu.memory_space<hbm>> -> memref<4x4096xf32, #tpu.memory_space<hbm>>
    %dma_wait3A_469 = arith.constant 0 : i32
    %dma_wait3A_470 = tpu.memref_slice %arg2[%add3A_466, %dma_wait3A_469] : memref<4096x4096xf32, #tpu.memory_space<hbm>> -> memref<4x4096xf32, #tpu.memory_space<hbm>>
    tpu.wait_dma2 semaphore(%arg18 : memref<!tpu.dma_semaphore, #tpu.memory_space<semaphore_mem>>) src(%dma_wait3A_470 : memref<4x4096xf32, #tpu.memory_space<hbm>>) dst(%arg10 : memref<4x4096xf32, #tpu.memory_space<vmem>>)
    %add3A_471 = arith.constant 76 : i32
    %add3A_472 = arith.addi %mul3A_2, %add3A_471 : i32
    %dma_start3A_473 = arith.constant 0 : i32
    %dma_start3A_474 = tpu.memref_slice %arg4[%add3A_472, %dma_start3A_473] : memref<4096x4096xf32, #tpu.memory_space<hbm>> -> memref<4x4096xf32, #tpu.memory_space<hbm>>
    %dma_start3A_475 = arith.constant 0 : i32
    %dma_start3A_476 = tpu.memref_slice %arg4[%add3A_472, %dma_start3A_475] : memref<4096x4096xf32, #tpu.memory_space<hbm>> -> memref<4x4096xf32, #tpu.memory_space<hbm>>
    tpu.enqueue_dma source(%arg10 : memref<4x4096xf32, #tpu.memory_space<vmem>>) target(%dma_start3A_476 : memref<4x4096xf32, #tpu.memory_space<hbm>>) target_semaphore(%arg25 : memref<!tpu.dma_semaphore, #tpu.memory_space<semaphore_mem>>)
    %add3A_477 = arith.constant 64 : i32
    %add3A_478 = arith.addi %mul3A_2, %add3A_477 : i32
    %dma_wait3A_479 = arith.constant 0 : i32
    %dma_wait3A_480 = tpu.memref_slice %arg4[%add3A_478, %dma_wait3A_479] : memref<4096x4096xf32, #tpu.memory_space<hbm>> -> memref<4x4096xf32, #tpu.memory_space<hbm>>
    %dma_wait3A_481 = arith.constant 0 : i32
    %dma_wait3A_482 = tpu.memref_slice %arg4[%add3A_478, %dma_wait3A_481] : memref<4096x4096xf32, #tpu.memory_space<hbm>> -> memref<4x4096xf32, #tpu.memory_space<hbm>>
    tpu.wait_dma2 semaphore(%arg22 : memref<!tpu.dma_semaphore, #tpu.memory_space<semaphore_mem>>) src(%arg7 : memref<4x4096xf32, #tpu.memory_space<vmem>>) dst(%dma_wait3A_482 : memref<4x4096xf32, #tpu.memory_space<hbm>>)
    %add3A_483 = arith.constant 92 : i32
    %add3A_484 = arith.addi %mul3A_2, %add3A_483 : i32
    %dma_start3A_485 = arith.constant 0 : i32
    %dma_start3A_486 = tpu.memref_slice %arg2[%add3A_484, %dma_start3A_485] : memref<4096x4096xf32, #tpu.memory_space<hbm>> -> memref<4x4096xf32, #tpu.memory_space<hbm>>
    %dma_start3A_487 = arith.constant 0 : i32
    %dma_start3A_488 = tpu.memref_slice %arg2[%add3A_484, %dma_start3A_487] : memref<4096x4096xf32, #tpu.memory_space<hbm>> -> memref<4x4096xf32, #tpu.memory_space<hbm>>
    tpu.enqueue_dma source(%dma_start3A_488 : memref<4x4096xf32, #tpu.memory_space<hbm>>) target(%arg7 : memref<4x4096xf32, #tpu.memory_space<vmem>>) target_semaphore(%arg15 : memref<!tpu.dma_semaphore, #tpu.memory_space<semaphore_mem>>)
    %add3A_489 = arith.constant 80 : i32
    %add3A_490 = arith.addi %mul3A_2, %add3A_489 : i32
    %dma_wait3A_491 = arith.constant 0 : i32
    %dma_wait3A_492 = tpu.memref_slice %arg2[%add3A_490, %dma_wait3A_491] : memref<4096x4096xf32, #tpu.memory_space<hbm>> -> memref<4x4096xf32, #tpu.memory_space<hbm>>
    %dma_wait3A_493 = arith.constant 0 : i32
    %dma_wait3A_494 = tpu.memref_slice %arg2[%add3A_490, %dma_wait3A_493] : memref<4096x4096xf32, #tpu.memory_space<hbm>> -> memref<4x4096xf32, #tpu.memory_space<hbm>>
    tpu.wait_dma2 semaphore(%arg19 : memref<!tpu.dma_semaphore, #tpu.memory_space<semaphore_mem>>) src(%dma_wait3A_494 : memref<4x4096xf32, #tpu.memory_space<hbm>>) dst(%arg11 : memref<4x4096xf32, #tpu.memory_space<vmem>>)
    %add3A_495 = arith.constant 80 : i32
    %add3A_496 = arith.addi %mul3A_2, %add3A_495 : i32
    %dma_start3A_497 = arith.constant 0 : i32
    %dma_start3A_498 = tpu.memref_slice %arg4[%add3A_496, %dma_start3A_497] : memref<4096x4096xf32, #tpu.memory_space<hbm>> -> memref<4x4096xf32, #tpu.memory_space<hbm>>
    %dma_start3A_499 = arith.constant 0 : i32
    %dma_start3A_500 = tpu.memref_slice %arg4[%add3A_496, %dma_start3A_499] : memref<4096x4096xf32, #tpu.memory_space<hbm>> -> memref<4x4096xf32, #tpu.memory_space<hbm>>
    tpu.enqueue_dma source(%arg11 : memref<4x4096xf32, #tpu.memory_space<vmem>>) target(%dma_start3A_500 : memref<4x4096xf32, #tpu.memory_space<hbm>>) target_semaphore(%arg26 : memref<!tpu.dma_semaphore, #tpu.memory_space<semaphore_mem>>)
    %add3A_501 = arith.constant 68 : i32
    %add3A_502 = arith.addi %mul3A_2, %add3A_501 : i32
    %dma_wait3A_503 = arith.constant 0 : i32
    %dma_wait3A_504 = tpu.memref_slice %arg4[%add3A_502, %dma_wait3A_503] : memref<4096x4096xf32, #tpu.memory_space<hbm>> -> memref<4x4096xf32, #tpu.memory_space<hbm>>
    %dma_wait3A_505 = arith.constant 0 : i32
    %dma_wait3A_506 = tpu.memref_slice %arg4[%add3A_502, %dma_wait3A_505] : memref<4096x4096xf32, #tpu.memory_space<hbm>> -> memref<4x4096xf32, #tpu.memory_space<hbm>>
    tpu.wait_dma2 semaphore(%arg23 : memref<!tpu.dma_semaphore, #tpu.memory_space<semaphore_mem>>) src(%arg8 : memref<4x4096xf32, #tpu.memory_space<vmem>>) dst(%dma_wait3A_506 : memref<4x4096xf32, #tpu.memory_space<hbm>>)
    %add3A_507 = arith.constant 96 : i32
    %add3A_508 = arith.addi %mul3A_2, %add3A_507 : i32
    %dma_start3A_509 = arith.constant 0 : i32
    %dma_start3A_510 = tpu.memref_slice %arg2[%add3A_508, %dma_start3A_509] : memref<4096x4096xf32, #tpu.memory_space<hbm>> -> memref<4x4096xf32, #tpu.memory_space<hbm>>
    %dma_start3A_511 = arith.constant 0 : i32
    %dma_start3A_512 = tpu.memref_slice %arg2[%add3A_508, %dma_start3A_511] : memref<4096x4096xf32, #tpu.memory_space<hbm>> -> memref<4x4096xf32, #tpu.memory_space<hbm>>
    tpu.enqueue_dma source(%dma_start3A_512 : memref<4x4096xf32, #tpu.memory_space<hbm>>) target(%arg8 : memref<4x4096xf32, #tpu.memory_space<vmem>>) target_semaphore(%arg16 : memref<!tpu.dma_semaphore, #tpu.memory_space<semaphore_mem>>)
    %add3A_513 = arith.constant 84 : i32
    %add3A_514 = arith.addi %mul3A_2, %add3A_513 : i32
    %dma_wait3A_515 = arith.constant 0 : i32
    %dma_wait3A_516 = tpu.memref_slice %arg2[%add3A_514, %dma_wait3A_515] : memref<4096x4096xf32, #tpu.memory_space<hbm>> -> memref<4x4096xf32, #tpu.memory_space<hbm>>
    %dma_wait3A_517 = arith.constant 0 : i32
    %dma_wait3A_518 = tpu.memref_slice %arg2[%add3A_514, %dma_wait3A_517] : memref<4096x4096xf32, #tpu.memory_space<hbm>> -> memref<4x4096xf32, #tpu.memory_space<hbm>>
    tpu.wait_dma2 semaphore(%arg13 : memref<!tpu.dma_semaphore, #tpu.memory_space<semaphore_mem>>) src(%dma_wait3A_518 : memref<4x4096xf32, #tpu.memory_space<hbm>>) dst(%arg5 : memref<4x4096xf32, #tpu.memory_space<vmem>>)
    %add3A_519 = arith.constant 84 : i32
    %add3A_520 = arith.addi %mul3A_2, %add3A_519 : i32
    %dma_start3A_521 = arith.constant 0 : i32
    %dma_start3A_522 = tpu.memref_slice %arg4[%add3A_520, %dma_start3A_521] : memref<4096x4096xf32, #tpu.memory_space<hbm>> -> memref<4x4096xf32, #tpu.memory_space<hbm>>
    %dma_start3A_523 = arith.constant 0 : i32
    %dma_start3A_524 = tpu.memref_slice %arg4[%add3A_520, %dma_start3A_523] : memref<4096x4096xf32, #tpu.memory_space<hbm>> -> memref<4x4096xf32, #tpu.memory_space<hbm>>
    tpu.enqueue_dma source(%arg5 : memref<4x4096xf32, #tpu.memory_space<vmem>>) target(%dma_start3A_524 : memref<4x4096xf32, #tpu.memory_space<hbm>>) target_semaphore(%arg20 : memref<!tpu.dma_semaphore, #tpu.memory_space<semaphore_mem>>)
    %add3A_525 = arith.constant 72 : i32
    %add3A_526 = arith.addi %mul3A_2, %add3A_525 : i32
    %dma_wait3A_527 = arith.constant 0 : i32
    %dma_wait3A_528 = tpu.memref_slice %arg4[%add3A_526, %dma_wait3A_527] : memref<4096x4096xf32, #tpu.memory_space<hbm>> -> memref<4x4096xf32, #tpu.memory_space<hbm>>
    %dma_wait3A_529 = arith.constant 0 : i32
    %dma_wait3A_530 = tpu.memref_slice %arg4[%add3A_526, %dma_wait3A_529] : memref<4096x4096xf32, #tpu.memory_space<hbm>> -> memref<4x4096xf32, #tpu.memory_space<hbm>>
    tpu.wait_dma2 semaphore(%arg24 : memref<!tpu.dma_semaphore, #tpu.memory_space<semaphore_mem>>) src(%arg9 : memref<4x4096xf32, #tpu.memory_space<vmem>>) dst(%dma_wait3A_530 : memref<4x4096xf32, #tpu.memory_space<hbm>>)
    %add3A_531 = arith.constant 100 : i32
    %add3A_532 = arith.addi %mul3A_2, %add3A_531 : i32
    %dma_start3A_533 = arith.constant 0 : i32
    %dma_start3A_534 = tpu.memref_slice %arg2[%add3A_532, %dma_start3A_533] : memref<4096x4096xf32, #tpu.memory_space<hbm>> -> memref<4x4096xf32, #tpu.memory_space<hbm>>
    %dma_start3A_535 = arith.constant 0 : i32
    %dma_start3A_536 = tpu.memref_slice %arg2[%add3A_532, %dma_start3A_535] : memref<4096x4096xf32, #tpu.memory_space<hbm>> -> memref<4x4096xf32, #tpu.memory_space<hbm>>
    tpu.enqueue_dma source(%dma_start3A_536 : memref<4x4096xf32, #tpu.memory_space<hbm>>) target(%arg9 : memref<4x4096xf32, #tpu.memory_space<vmem>>) target_semaphore(%arg17 : memref<!tpu.dma_semaphore, #tpu.memory_space<semaphore_mem>>)
    %add3A_537 = arith.constant 88 : i32
    %add3A_538 = arith.addi %mul3A_2, %add3A_537 : i32
    %dma_wait3A_539 = arith.constant 0 : i32
    %dma_wait3A_540 = tpu.memref_slice %arg2[%add3A_538, %dma_wait3A_539] : memref<4096x4096xf32, #tpu.memory_space<hbm>> -> memref<4x4096xf32, #tpu.memory_space<hbm>>
    %dma_wait3A_541 = arith.constant 0 : i32
    %dma_wait3A_542 = tpu.memref_slice %arg2[%add3A_538, %dma_wait3A_541] : memref<4096x4096xf32, #tpu.memory_space<hbm>> -> memref<4x4096xf32, #tpu.memory_space<hbm>>
    tpu.wait_dma2 semaphore(%arg14 : memref<!tpu.dma_semaphore, #tpu.memory_space<semaphore_mem>>) src(%dma_wait3A_542 : memref<4x4096xf32, #tpu.memory_space<hbm>>) dst(%arg6 : memref<4x4096xf32, #tpu.memory_space<vmem>>)
    %add3A_543 = arith.constant 88 : i32
    %add3A_544 = arith.addi %mul3A_2, %add3A_543 : i32
    %dma_start3A_545 = arith.constant 0 : i32
    %dma_start3A_546 = tpu.memref_slice %arg4[%add3A_544, %dma_start3A_545] : memref<4096x4096xf32, #tpu.memory_space<hbm>> -> memref<4x4096xf32, #tpu.memory_space<hbm>>
    %dma_start3A_547 = arith.constant 0 : i32
    %dma_start3A_548 = tpu.memref_slice %arg4[%add3A_544, %dma_start3A_547] : memref<4096x4096xf32, #tpu.memory_space<hbm>> -> memref<4x4096xf32, #tpu.memory_space<hbm>>
    tpu.enqueue_dma source(%arg6 : memref<4x4096xf32, #tpu.memory_space<vmem>>) target(%dma_start3A_548 : memref<4x4096xf32, #tpu.memory_space<hbm>>) target_semaphore(%arg21 : memref<!tpu.dma_semaphore, #tpu.memory_space<semaphore_mem>>)
    %add3A_549 = arith.constant 76 : i32
    %add3A_550 = arith.addi %mul3A_2, %add3A_549 : i32
    %dma_wait3A_551 = arith.constant 0 : i32
    %dma_wait3A_552 = tpu.memref_slice %arg4[%add3A_550, %dma_wait3A_551] : memref<4096x4096xf32, #tpu.memory_space<hbm>> -> memref<4x4096xf32, #tpu.memory_space<hbm>>
    %dma_wait3A_553 = arith.constant 0 : i32
    %dma_wait3A_554 = tpu.memref_slice %arg4[%add3A_550, %dma_wait3A_553] : memref<4096x4096xf32, #tpu.memory_space<hbm>> -> memref<4x4096xf32, #tpu.memory_space<hbm>>
    tpu.wait_dma2 semaphore(%arg25 : memref<!tpu.dma_semaphore, #tpu.memory_space<semaphore_mem>>) src(%arg10 : memref<4x4096xf32, #tpu.memory_space<vmem>>) dst(%dma_wait3A_554 : memref<4x4096xf32, #tpu.memory_space<hbm>>)
    %add3A_555 = arith.constant 104 : i32
    %add3A_556 = arith.addi %mul3A_2, %add3A_555 : i32
    %dma_start3A_557 = arith.constant 0 : i32
    %dma_start3A_558 = tpu.memref_slice %arg2[%add3A_556, %dma_start3A_557] : memref<4096x4096xf32, #tpu.memory_space<hbm>> -> memref<4x4096xf32, #tpu.memory_space<hbm>>
    %dma_start3A_559 = arith.constant 0 : i32
    %dma_start3A_560 = tpu.memref_slice %arg2[%add3A_556, %dma_start3A_559] : memref<4096x4096xf32, #tpu.memory_space<hbm>> -> memref<4x4096xf32, #tpu.memory_space<hbm>>
    tpu.enqueue_dma source(%dma_start3A_560 : memref<4x4096xf32, #tpu.memory_space<hbm>>) target(%arg10 : memref<4x4096xf32, #tpu.memory_space<vmem>>) target_semaphore(%arg18 : memref<!tpu.dma_semaphore, #tpu.memory_space<semaphore_mem>>)
    %add3A_561 = arith.constant 92 : i32
    %add3A_562 = arith.addi %mul3A_2, %add3A_561 : i32
    %dma_wait3A_563 = arith.constant 0 : i32
    %dma_wait3A_564 = tpu.memref_slice %arg2[%add3A_562, %dma_wait3A_563] : memref<4096x4096xf32, #tpu.memory_space<hbm>> -> memref<4x4096xf32, #tpu.memory_space<hbm>>
    %dma_wait3A_565 = arith.constant 0 : i32
    %dma_wait3A_566 = tpu.memref_slice %arg2[%add3A_562, %dma_wait3A_565] : memref<4096x4096xf32, #tpu.memory_space<hbm>> -> memref<4x4096xf32, #tpu.memory_space<hbm>>
    tpu.wait_dma2 semaphore(%arg15 : memref<!tpu.dma_semaphore, #tpu.memory_space<semaphore_mem>>) src(%dma_wait3A_566 : memref<4x4096xf32, #tpu.memory_space<hbm>>) dst(%arg7 : memref<4x4096xf32, #tpu.memory_space<vmem>>)
    %add3A_567 = arith.constant 92 : i32
    %add3A_568 = arith.addi %mul3A_2, %add3A_567 : i32
    %dma_start3A_569 = arith.constant 0 : i32
    %dma_start3A_570 = tpu.memref_slice %arg4[%add3A_568, %dma_start3A_569] : memref<4096x4096xf32, #tpu.memory_space<hbm>> -> memref<4x4096xf32, #tpu.memory_space<hbm>>
    %dma_start3A_571 = arith.constant 0 : i32
    %dma_start3A_572 = tpu.memref_slice %arg4[%add3A_568, %dma_start3A_571] : memref<4096x4096xf32, #tpu.memory_space<hbm>> -> memref<4x4096xf32, #tpu.memory_space<hbm>>
    tpu.enqueue_dma source(%arg7 : memref<4x4096xf32, #tpu.memory_space<vmem>>) target(%dma_start3A_572 : memref<4x4096xf32, #tpu.memory_space<hbm>>) target_semaphore(%arg22 : memref<!tpu.dma_semaphore, #tpu.memory_space<semaphore_mem>>)
    %add3A_573 = arith.constant 80 : i32
    %add3A_574 = arith.addi %mul3A_2, %add3A_573 : i32
    %dma_wait3A_575 = arith.constant 0 : i32
    %dma_wait3A_576 = tpu.memref_slice %arg4[%add3A_574, %dma_wait3A_575] : memref<4096x4096xf32, #tpu.memory_space<hbm>> -> memref<4x4096xf32, #tpu.memory_space<hbm>>
    %dma_wait3A_577 = arith.constant 0 : i32
    %dma_wait3A_578 = tpu.memref_slice %arg4[%add3A_574, %dma_wait3A_577] : memref<4096x4096xf32, #tpu.memory_space<hbm>> -> memref<4x4096xf32, #tpu.memory_space<hbm>>
    tpu.wait_dma2 semaphore(%arg26 : memref<!tpu.dma_semaphore, #tpu.memory_space<semaphore_mem>>) src(%arg11 : memref<4x4096xf32, #tpu.memory_space<vmem>>) dst(%dma_wait3A_578 : memref<4x4096xf32, #tpu.memory_space<hbm>>)
    %add3A_579 = arith.constant 108 : i32
    %add3A_580 = arith.addi %mul3A_2, %add3A_579 : i32
    %dma_start3A_581 = arith.constant 0 : i32
    %dma_start3A_582 = tpu.memref_slice %arg2[%add3A_580, %dma_start3A_581] : memref<4096x4096xf32, #tpu.memory_space<hbm>> -> memref<4x4096xf32, #tpu.memory_space<hbm>>
    %dma_start3A_583 = arith.constant 0 : i32
    %dma_start3A_584 = tpu.memref_slice %arg2[%add3A_580, %dma_start3A_583] : memref<4096x4096xf32, #tpu.memory_space<hbm>> -> memref<4x4096xf32, #tpu.memory_space<hbm>>
    tpu.enqueue_dma source(%dma_start3A_584 : memref<4x4096xf32, #tpu.memory_space<hbm>>) target(%arg11 : memref<4x4096xf32, #tpu.memory_space<vmem>>) target_semaphore(%arg19 : memref<!tpu.dma_semaphore, #tpu.memory_space<semaphore_mem>>)
    %add3A_585 = arith.constant 96 : i32
    %add3A_586 = arith.addi %mul3A_2, %add3A_585 : i32
    %dma_wait3A_587 = arith.constant 0 : i32
    %dma_wait3A_588 = tpu.memref_slice %arg2[%add3A_586, %dma_wait3A_587] : memref<4096x4096xf32, #tpu.memory_space<hbm>> -> memref<4x4096xf32, #tpu.memory_space<hbm>>
    %dma_wait3A_589 = arith.constant 0 : i32
    %dma_wait3A_590 = tpu.memref_slice %arg2[%add3A_586, %dma_wait3A_589] : memref<4096x4096xf32, #tpu.memory_space<hbm>> -> memref<4x4096xf32, #tpu.memory_space<hbm>>
    tpu.wait_dma2 semaphore(%arg16 : memref<!tpu.dma_semaphore, #tpu.memory_space<semaphore_mem>>) src(%dma_wait3A_590 : memref<4x4096xf32, #tpu.memory_space<hbm>>) dst(%arg8 : memref<4x4096xf32, #tpu.memory_space<vmem>>)
    %add3A_591 = arith.constant 96 : i32
    %add3A_592 = arith.addi %mul3A_2, %add3A_591 : i32
    %dma_start3A_593 = arith.constant 0 : i32
    %dma_start3A_594 = tpu.memref_slice %arg4[%add3A_592, %dma_start3A_593] : memref<4096x4096xf32, #tpu.memory_space<hbm>> -> memref<4x4096xf32, #tpu.memory_space<hbm>>
    %dma_start3A_595 = arith.constant 0 : i32
    %dma_start3A_596 = tpu.memref_slice %arg4[%add3A_592, %dma_start3A_595] : memref<4096x4096xf32, #tpu.memory_space<hbm>> -> memref<4x4096xf32, #tpu.memory_space<hbm>>
    tpu.enqueue_dma source(%arg8 : memref<4x4096xf32, #tpu.memory_space<vmem>>) target(%dma_start3A_596 : memref<4x4096xf32, #tpu.memory_space<hbm>>) target_semaphore(%arg23 : memref<!tpu.dma_semaphore, #tpu.memory_space<semaphore_mem>>)
    %add3A_597 = arith.constant 84 : i32
    %add3A_598 = arith.addi %mul3A_2, %add3A_597 : i32
    %dma_wait3A_599 = arith.constant 0 : i32
    %dma_wait3A_600 = tpu.memref_slice %arg4[%add3A_598, %dma_wait3A_599] : memref<4096x4096xf32, #tpu.memory_space<hbm>> -> memref<4x4096xf32, #tpu.memory_space<hbm>>
    %dma_wait3A_601 = arith.constant 0 : i32
    %dma_wait3A_602 = tpu.memref_slice %arg4[%add3A_598, %dma_wait3A_601] : memref<4096x4096xf32, #tpu.memory_space<hbm>> -> memref<4x4096xf32, #tpu.memory_space<hbm>>
    tpu.wait_dma2 semaphore(%arg20 : memref<!tpu.dma_semaphore, #tpu.memory_space<semaphore_mem>>) src(%arg5 : memref<4x4096xf32, #tpu.memory_space<vmem>>) dst(%dma_wait3A_602 : memref<4x4096xf32, #tpu.memory_space<hbm>>)
    %add3A_603 = arith.constant 112 : i32
    %add3A_604 = arith.addi %mul3A_2, %add3A_603 : i32
    %dma_start3A_605 = arith.constant 0 : i32
    %dma_start3A_606 = tpu.memref_slice %arg2[%add3A_604, %dma_start3A_605] : memref<4096x4096xf32, #tpu.memory_space<hbm>> -> memref<4x4096xf32, #tpu.memory_space<hbm>>
    %dma_start3A_607 = arith.constant 0 : i32
    %dma_start3A_608 = tpu.memref_slice %arg2[%add3A_604, %dma_start3A_607] : memref<4096x4096xf32, #tpu.memory_space<hbm>> -> memref<4x4096xf32, #tpu.memory_space<hbm>>
    tpu.enqueue_dma source(%dma_start3A_608 : memref<4x4096xf32, #tpu.memory_space<hbm>>) target(%arg5 : memref<4x4096xf32, #tpu.memory_space<vmem>>) target_semaphore(%arg13 : memref<!tpu.dma_semaphore, #tpu.memory_space<semaphore_mem>>)
    %add3A_609 = arith.constant 100 : i32
    %add3A_610 = arith.addi %mul3A_2, %add3A_609 : i32
    %dma_wait3A_611 = arith.constant 0 : i32
    %dma_wait3A_612 = tpu.memref_slice %arg2[%add3A_610, %dma_wait3A_611] : memref<4096x4096xf32, #tpu.memory_space<hbm>> -> memref<4x4096xf32, #tpu.memory_space<hbm>>
    %dma_wait3A_613 = arith.constant 0 : i32
    %dma_wait3A_614 = tpu.memref_slice %arg2[%add3A_610, %dma_wait3A_613] : memref<4096x4096xf32, #tpu.memory_space<hbm>> -> memref<4x4096xf32, #tpu.memory_space<hbm>>
    tpu.wait_dma2 semaphore(%arg17 : memref<!tpu.dma_semaphore, #tpu.memory_space<semaphore_mem>>) src(%dma_wait3A_614 : memref<4x4096xf32, #tpu.memory_space<hbm>>) dst(%arg9 : memref<4x4096xf32, #tpu.memory_space<vmem>>)
    %add3A_615 = arith.constant 100 : i32
    %add3A_616 = arith.addi %mul3A_2, %add3A_615 : i32
    %dma_start3A_617 = arith.constant 0 : i32
    %dma_start3A_618 = tpu.memref_slice %arg4[%add3A_616, %dma_start3A_617] : memref<4096x4096xf32, #tpu.memory_space<hbm>> -> memref<4x4096xf32, #tpu.memory_space<hbm>>
    %dma_start3A_619 = arith.constant 0 : i32
    %dma_start3A_620 = tpu.memref_slice %arg4[%add3A_616, %dma_start3A_619] : memref<4096x4096xf32, #tpu.memory_space<hbm>> -> memref<4x4096xf32, #tpu.memory_space<hbm>>
    tpu.enqueue_dma source(%arg9 : memref<4x4096xf32, #tpu.memory_space<vmem>>) target(%dma_start3A_620 : memref<4x4096xf32, #tpu.memory_space<hbm>>) target_semaphore(%arg24 : memref<!tpu.dma_semaphore, #tpu.memory_space<semaphore_mem>>)
    %add3A_621 = arith.constant 88 : i32
    %add3A_622 = arith.addi %mul3A_2, %add3A_621 : i32
    %dma_wait3A_623 = arith.constant 0 : i32
    %dma_wait3A_624 = tpu.memref_slice %arg4[%add3A_622, %dma_wait3A_623] : memref<4096x4096xf32, #tpu.memory_space<hbm>> -> memref<4x4096xf32, #tpu.memory_space<hbm>>
    %dma_wait3A_625 = arith.constant 0 : i32
    %dma_wait3A_626 = tpu.memref_slice %arg4[%add3A_622, %dma_wait3A_625] : memref<4096x4096xf32, #tpu.memory_space<hbm>> -> memref<4x4096xf32, #tpu.memory_space<hbm>>
    tpu.wait_dma2 semaphore(%arg21 : memref<!tpu.dma_semaphore, #tpu.memory_space<semaphore_mem>>) src(%arg6 : memref<4x4096xf32, #tpu.memory_space<vmem>>) dst(%dma_wait3A_626 : memref<4x4096xf32, #tpu.memory_space<hbm>>)
    %add3A_627 = arith.constant 116 : i32
    %add3A_628 = arith.addi %mul3A_2, %add3A_627 : i32
    %dma_start3A_629 = arith.constant 0 : i32
    %dma_start3A_630 = tpu.memref_slice %arg2[%add3A_628, %dma_start3A_629] : memref<4096x4096xf32, #tpu.memory_space<hbm>> -> memref<4x4096xf32, #tpu.memory_space<hbm>>
    %dma_start3A_631 = arith.constant 0 : i32
    %dma_start3A_632 = tpu.memref_slice %arg2[%add3A_628, %dma_start3A_631] : memref<4096x4096xf32, #tpu.memory_space<hbm>> -> memref<4x4096xf32, #tpu.memory_space<hbm>>
    tpu.enqueue_dma source(%dma_start3A_632 : memref<4x4096xf32, #tpu.memory_space<hbm>>) target(%arg6 : memref<4x4096xf32, #tpu.memory_space<vmem>>) target_semaphore(%arg14 : memref<!tpu.dma_semaphore, #tpu.memory_space<semaphore_mem>>)
    %add3A_633 = arith.constant 104 : i32
    %add3A_634 = arith.addi %mul3A_2, %add3A_633 : i32
    %dma_wait3A_635 = arith.constant 0 : i32
    %dma_wait3A_636 = tpu.memref_slice %arg2[%add3A_634, %dma_wait3A_635] : memref<4096x4096xf32, #tpu.memory_space<hbm>> -> memref<4x4096xf32, #tpu.memory_space<hbm>>
    %dma_wait3A_637 = arith.constant 0 : i32
    %dma_wait3A_638 = tpu.memref_slice %arg2[%add3A_634, %dma_wait3A_637] : memref<4096x4096xf32, #tpu.memory_space<hbm>> -> memref<4x4096xf32, #tpu.memory_space<hbm>>
    tpu.wait_dma2 semaphore(%arg18 : memref<!tpu.dma_semaphore, #tpu.memory_space<semaphore_mem>>) src(%dma_wait3A_638 : memref<4x4096xf32, #tpu.memory_space<hbm>>) dst(%arg10 : memref<4x4096xf32, #tpu.memory_space<vmem>>)
    %add3A_639 = arith.constant 104 : i32
    %add3A_640 = arith.addi %mul3A_2, %add3A_639 : i32
    %dma_start3A_641 = arith.constant 0 : i32
    %dma_start3A_642 = tpu.memref_slice %arg4[%add3A_640, %dma_start3A_641] : memref<4096x4096xf32, #tpu.memory_space<hbm>> -> memref<4x4096xf32, #tpu.memory_space<hbm>>
    %dma_start3A_643 = arith.constant 0 : i32
    %dma_start3A_644 = tpu.memref_slice %arg4[%add3A_640, %dma_start3A_643] : memref<4096x4096xf32, #tpu.memory_space<hbm>> -> memref<4x4096xf32, #tpu.memory_space<hbm>>
    tpu.enqueue_dma source(%arg10 : memref<4x4096xf32, #tpu.memory_space<vmem>>) target(%dma_start3A_644 : memref<4x4096xf32, #tpu.memory_space<hbm>>) target_semaphore(%arg25 : memref<!tpu.dma_semaphore, #tpu.memory_space<semaphore_mem>>)
    %add3A_645 = arith.constant 92 : i32
    %add3A_646 = arith.addi %mul3A_2, %add3A_645 : i32
    %dma_wait3A_647 = arith.constant 0 : i32
    %dma_wait3A_648 = tpu.memref_slice %arg4[%add3A_646, %dma_wait3A_647] : memref<4096x4096xf32, #tpu.memory_space<hbm>> -> memref<4x4096xf32, #tpu.memory_space<hbm>>
    %dma_wait3A_649 = arith.constant 0 : i32
    %dma_wait3A_650 = tpu.memref_slice %arg4[%add3A_646, %dma_wait3A_649] : memref<4096x4096xf32, #tpu.memory_space<hbm>> -> memref<4x4096xf32, #tpu.memory_space<hbm>>
    tpu.wait_dma2 semaphore(%arg22 : memref<!tpu.dma_semaphore, #tpu.memory_space<semaphore_mem>>) src(%arg7 : memref<4x4096xf32, #tpu.memory_space<vmem>>) dst(%dma_wait3A_650 : memref<4x4096xf32, #tpu.memory_space<hbm>>)
    %add3A_651 = arith.constant 120 : i32
    %add3A_652 = arith.addi %mul3A_2, %add3A_651 : i32
    %dma_start3A_653 = arith.constant 0 : i32
    %dma_start3A_654 = tpu.memref_slice %arg2[%add3A_652, %dma_start3A_653] : memref<4096x4096xf32, #tpu.memory_space<hbm>> -> memref<4x4096xf32, #tpu.memory_space<hbm>>
    %dma_start3A_655 = arith.constant 0 : i32
    %dma_start3A_656 = tpu.memref_slice %arg2[%add3A_652, %dma_start3A_655] : memref<4096x4096xf32, #tpu.memory_space<hbm>> -> memref<4x4096xf32, #tpu.memory_space<hbm>>
    tpu.enqueue_dma source(%dma_start3A_656 : memref<4x4096xf32, #tpu.memory_space<hbm>>) target(%arg7 : memref<4x4096xf32, #tpu.memory_space<vmem>>) target_semaphore(%arg15 : memref<!tpu.dma_semaphore, #tpu.memory_space<semaphore_mem>>)
    %add3A_657 = arith.constant 108 : i32
    %add3A_658 = arith.addi %mul3A_2, %add3A_657 : i32
    %dma_wait3A_659 = arith.constant 0 : i32
    %dma_wait3A_660 = tpu.memref_slice %arg2[%add3A_658, %dma_wait3A_659] : memref<4096x4096xf32, #tpu.memory_space<hbm>> -> memref<4x4096xf32, #tpu.memory_space<hbm>>
    %dma_wait3A_661 = arith.constant 0 : i32
    %dma_wait3A_662 = tpu.memref_slice %arg2[%add3A_658, %dma_wait3A_661] : memref<4096x4096xf32, #tpu.memory_space<hbm>> -> memref<4x4096xf32, #tpu.memory_space<hbm>>
    tpu.wait_dma2 semaphore(%arg19 : memref<!tpu.dma_semaphore, #tpu.memory_space<semaphore_mem>>) src(%dma_wait3A_662 : memref<4x4096xf32, #tpu.memory_space<hbm>>) dst(%arg11 : memref<4x4096xf32, #tpu.memory_space<vmem>>)
    %add3A_663 = arith.constant 108 : i32
    %add3A_664 = arith.addi %mul3A_2, %add3A_663 : i32
    %dma_start3A_665 = arith.constant 0 : i32
    %dma_start3A_666 = tpu.memref_slice %arg4[%add3A_664, %dma_start3A_665] : memref<4096x4096xf32, #tpu.memory_space<hbm>> -> memref<4x4096xf32, #tpu.memory_space<hbm>>
    %dma_start3A_667 = arith.constant 0 : i32
    %dma_start3A_668 = tpu.memref_slice %arg4[%add3A_664, %dma_start3A_667] : memref<4096x4096xf32, #tpu.memory_space<hbm>> -> memref<4x4096xf32, #tpu.memory_space<hbm>>
    tpu.enqueue_dma source(%arg11 : memref<4x4096xf32, #tpu.memory_space<vmem>>) target(%dma_start3A_668 : memref<4x4096xf32, #tpu.memory_space<hbm>>) target_semaphore(%arg26 : memref<!tpu.dma_semaphore, #tpu.memory_space<semaphore_mem>>)
    %add3A_669 = arith.constant 96 : i32
    %add3A_670 = arith.addi %mul3A_2, %add3A_669 : i32
    %dma_wait3A_671 = arith.constant 0 : i32
    %dma_wait3A_672 = tpu.memref_slice %arg4[%add3A_670, %dma_wait3A_671] : memref<4096x4096xf32, #tpu.memory_space<hbm>> -> memref<4x4096xf32, #tpu.memory_space<hbm>>
    %dma_wait3A_673 = arith.constant 0 : i32
    %dma_wait3A_674 = tpu.memref_slice %arg4[%add3A_670, %dma_wait3A_673] : memref<4096x4096xf32, #tpu.memory_space<hbm>> -> memref<4x4096xf32, #tpu.memory_space<hbm>>
    tpu.wait_dma2 semaphore(%arg23 : memref<!tpu.dma_semaphore, #tpu.memory_space<semaphore_mem>>) src(%arg8 : memref<4x4096xf32, #tpu.memory_space<vmem>>) dst(%dma_wait3A_674 : memref<4x4096xf32, #tpu.memory_space<hbm>>)
    %add3A_675 = arith.constant 124 : i32
    %add3A_676 = arith.addi %mul3A_2, %add3A_675 : i32
    %dma_start3A_677 = arith.constant 0 : i32
    %dma_start3A_678 = tpu.memref_slice %arg2[%add3A_676, %dma_start3A_677] : memref<4096x4096xf32, #tpu.memory_space<hbm>> -> memref<4x4096xf32, #tpu.memory_space<hbm>>
    %dma_start3A_679 = arith.constant 0 : i32
    %dma_start3A_680 = tpu.memref_slice %arg2[%add3A_676, %dma_start3A_679] : memref<4096x4096xf32, #tpu.memory_space<hbm>> -> memref<4x4096xf32, #tpu.memory_space<hbm>>
    tpu.enqueue_dma source(%dma_start3A_680 : memref<4x4096xf32, #tpu.memory_space<hbm>>) target(%arg8 : memref<4x4096xf32, #tpu.memory_space<vmem>>) target_semaphore(%arg16 : memref<!tpu.dma_semaphore, #tpu.memory_space<semaphore_mem>>)
    %add3A_681 = arith.constant 112 : i32
    %add3A_682 = arith.addi %mul3A_2, %add3A_681 : i32
    %dma_wait3A_683 = arith.constant 0 : i32
    %dma_wait3A_684 = tpu.memref_slice %arg2[%add3A_682, %dma_wait3A_683] : memref<4096x4096xf32, #tpu.memory_space<hbm>> -> memref<4x4096xf32, #tpu.memory_space<hbm>>
    %dma_wait3A_685 = arith.constant 0 : i32
    %dma_wait3A_686 = tpu.memref_slice %arg2[%add3A_682, %dma_wait3A_685] : memref<4096x4096xf32, #tpu.memory_space<hbm>> -> memref<4x4096xf32, #tpu.memory_space<hbm>>
    tpu.wait_dma2 semaphore(%arg13 : memref<!tpu.dma_semaphore, #tpu.memory_space<semaphore_mem>>) src(%dma_wait3A_686 : memref<4x4096xf32, #tpu.memory_space<hbm>>) dst(%arg5 : memref<4x4096xf32, #tpu.memory_space<vmem>>)
    %add3A_687 = arith.constant 112 : i32
    %add3A_688 = arith.addi %mul3A_2, %add3A_687 : i32
    %dma_start3A_689 = arith.constant 0 : i32
    %dma_start3A_690 = tpu.memref_slice %arg4[%add3A_688, %dma_start3A_689] : memref<4096x4096xf32, #tpu.memory_space<hbm>> -> memref<4x4096xf32, #tpu.memory_space<hbm>>
    %dma_start3A_691 = arith.constant 0 : i32
    %dma_start3A_692 = tpu.memref_slice %arg4[%add3A_688, %dma_start3A_691] : memref<4096x4096xf32, #tpu.memory_space<hbm>> -> memref<4x4096xf32, #tpu.memory_space<hbm>>
    tpu.enqueue_dma source(%arg5 : memref<4x4096xf32, #tpu.memory_space<vmem>>) target(%dma_start3A_692 : memref<4x4096xf32, #tpu.memory_space<hbm>>) target_semaphore(%arg20 : memref<!tpu.dma_semaphore, #tpu.memory_space<semaphore_mem>>)
    %add3A_693 = arith.constant 116 : i32
    %add3A_694 = arith.addi %mul3A_2, %add3A_693 : i32
    %dma_wait3A_695 = arith.constant 0 : i32
    %dma_wait3A_696 = tpu.memref_slice %arg2[%add3A_694, %dma_wait3A_695] : memref<4096x4096xf32, #tpu.memory_space<hbm>> -> memref<4x4096xf32, #tpu.memory_space<hbm>>
    %dma_wait3A_697 = arith.constant 0 : i32
    %dma_wait3A_698 = tpu.memref_slice %arg2[%add3A_694, %dma_wait3A_697] : memref<4096x4096xf32, #tpu.memory_space<hbm>> -> memref<4x4096xf32, #tpu.memory_space<hbm>>
    tpu.wait_dma2 semaphore(%arg14 : memref<!tpu.dma_semaphore, #tpu.memory_space<semaphore_mem>>) src(%dma_wait3A_698 : memref<4x4096xf32, #tpu.memory_space<hbm>>) dst(%arg6 : memref<4x4096xf32, #tpu.memory_space<vmem>>)
    %add3A_699 = arith.constant 116 : i32
    %add3A_700 = arith.addi %mul3A_2, %add3A_699 : i32
    %dma_start3A_701 = arith.constant 0 : i32
    %dma_start3A_702 = tpu.memref_slice %arg4[%add3A_700, %dma_start3A_701] : memref<4096x4096xf32, #tpu.memory_space<hbm>> -> memref<4x4096xf32, #tpu.memory_space<hbm>>
    %dma_start3A_703 = arith.constant 0 : i32
    %dma_start3A_704 = tpu.memref_slice %arg4[%add3A_700, %dma_start3A_703] : memref<4096x4096xf32, #tpu.memory_space<hbm>> -> memref<4x4096xf32, #tpu.memory_space<hbm>>
    tpu.enqueue_dma source(%arg6 : memref<4x4096xf32, #tpu.memory_space<vmem>>) target(%dma_start3A_704 : memref<4x4096xf32, #tpu.memory_space<hbm>>) target_semaphore(%arg21 : memref<!tpu.dma_semaphore, #tpu.memory_space<semaphore_mem>>)
    %add3A_705 = arith.constant 120 : i32
    %add3A_706 = arith.addi %mul3A_2, %add3A_705 : i32
    %dma_wait3A_707 = arith.constant 0 : i32
    %dma_wait3A_708 = tpu.memref_slice %arg2[%add3A_706, %dma_wait3A_707] : memref<4096x4096xf32, #tpu.memory_space<hbm>> -> memref<4x4096xf32, #tpu.memory_space<hbm>>
    %dma_wait3A_709 = arith.constant 0 : i32
    %dma_wait3A_710 = tpu.memref_slice %arg2[%add3A_706, %dma_wait3A_709] : memref<4096x4096xf32, #tpu.memory_space<hbm>> -> memref<4x4096xf32, #tpu.memory_space<hbm>>
    tpu.wait_dma2 semaphore(%arg15 : memref<!tpu.dma_semaphore, #tpu.memory_space<semaphore_mem>>) src(%dma_wait3A_710 : memref<4x4096xf32, #tpu.memory_space<hbm>>) dst(%arg7 : memref<4x4096xf32, #tpu.memory_space<vmem>>)
    %add3A_711 = arith.constant 120 : i32
    %add3A_712 = arith.addi %mul3A_2, %add3A_711 : i32
    %dma_start3A_713 = arith.constant 0 : i32
    %dma_start3A_714 = tpu.memref_slice %arg4[%add3A_712, %dma_start3A_713] : memref<4096x4096xf32, #tpu.memory_space<hbm>> -> memref<4x4096xf32, #tpu.memory_space<hbm>>
    %dma_start3A_715 = arith.constant 0 : i32
    %dma_start3A_716 = tpu.memref_slice %arg4[%add3A_712, %dma_start3A_715] : memref<4096x4096xf32, #tpu.memory_space<hbm>> -> memref<4x4096xf32, #tpu.memory_space<hbm>>
    tpu.enqueue_dma source(%arg7 : memref<4x4096xf32, #tpu.memory_space<vmem>>) target(%dma_start3A_716 : memref<4x4096xf32, #tpu.memory_space<hbm>>) target_semaphore(%arg22 : memref<!tpu.dma_semaphore, #tpu.memory_space<semaphore_mem>>)
    %add3A_717 = arith.constant 124 : i32
    %add3A_718 = arith.addi %mul3A_2, %add3A_717 : i32
    %dma_wait3A_719 = arith.constant 0 : i32
    %dma_wait3A_720 = tpu.memref_slice %arg2[%add3A_718, %dma_wait3A_719] : memref<4096x4096xf32, #tpu.memory_space<hbm>> -> memref<4x4096xf32, #tpu.memory_space<hbm>>
    %dma_wait3A_721 = arith.constant 0 : i32
    %dma_wait3A_722 = tpu.memref_slice %arg2[%add3A_718, %dma_wait3A_721] : memref<4096x4096xf32, #tpu.memory_space<hbm>> -> memref<4x4096xf32, #tpu.memory_space<hbm>>
    tpu.wait_dma2 semaphore(%arg16 : memref<!tpu.dma_semaphore, #tpu.memory_space<semaphore_mem>>) src(%dma_wait3A_722 : memref<4x4096xf32, #tpu.memory_space<hbm>>) dst(%arg8 : memref<4x4096xf32, #tpu.memory_space<vmem>>)
    %add3A_723 = arith.constant 124 : i32
    %add3A_724 = arith.addi %mul3A_2, %add3A_723 : i32
    %dma_start3A_725 = arith.constant 0 : i32
    %dma_start3A_726 = tpu.memref_slice %arg4[%add3A_724, %dma_start3A_725] : memref<4096x4096xf32, #tpu.memory_space<hbm>> -> memref<4x4096xf32, #tpu.memory_space<hbm>>
    %dma_start3A_727 = arith.constant 0 : i32
    %dma_start3A_728 = tpu.memref_slice %arg4[%add3A_724, %dma_start3A_727] : memref<4096x4096xf32, #tpu.memory_space<hbm>> -> memref<4x4096xf32, #tpu.memory_space<hbm>>
    tpu.enqueue_dma source(%arg8 : memref<4x4096xf32, #tpu.memory_space<vmem>>) target(%dma_start3A_728 : memref<4x4096xf32, #tpu.memory_space<hbm>>) target_semaphore(%arg23 : memref<!tpu.dma_semaphore, #tpu.memory_space<semaphore_mem>>)
    %add3A_729 = arith.constant 100 : i32
    %add3A_730 = arith.addi %mul3A_2, %add3A_729 : i32
    %dma_wait3A_731 = arith.constant 0 : i32
    %dma_wait3A_732 = tpu.memref_slice %arg4[%add3A_730, %dma_wait3A_731] : memref<4096x4096xf32, #tpu.memory_space<hbm>> -> memref<4x4096xf32, #tpu.memory_space<hbm>>
    %dma_wait3A_733 = arith.constant 0 : i32
    %dma_wait3A_734 = tpu.memref_slice %arg4[%add3A_730, %dma_wait3A_733] : memref<4096x4096xf32, #tpu.memory_space<hbm>> -> memref<4x4096xf32, #tpu.memory_space<hbm>>
    tpu.wait_dma2 semaphore(%arg24 : memref<!tpu.dma_semaphore, #tpu.memory_space<semaphore_mem>>) src(%arg9 : memref<4x4096xf32, #tpu.memory_space<vmem>>) dst(%dma_wait3A_734 : memref<4x4096xf32, #tpu.memory_space<hbm>>)
    %add3A_735 = arith.constant 104 : i32
    %add3A_736 = arith.addi %mul3A_2, %add3A_735 : i32
    %dma_wait3A_737 = arith.constant 0 : i32
    %dma_wait3A_738 = tpu.memref_slice %arg4[%add3A_736, %dma_wait3A_737] : memref<4096x4096xf32, #tpu.memory_space<hbm>> -> memref<4x4096xf32, #tpu.memory_space<hbm>>
    %dma_wait3A_739 = arith.constant 0 : i32
    %dma_wait3A_740 = tpu.memref_slice %arg4[%add3A_736, %dma_wait3A_739] : memref<4096x4096xf32, #tpu.memory_space<hbm>> -> memref<4x4096xf32, #tpu.memory_space<hbm>>
    tpu.wait_dma2 semaphore(%arg25 : memref<!tpu.dma_semaphore, #tpu.memory_space<semaphore_mem>>) src(%arg10 : memref<4x4096xf32, #tpu.memory_space<vmem>>) dst(%dma_wait3A_740 : memref<4x4096xf32, #tpu.memory_space<hbm>>)
    %add3A_741 = arith.constant 108 : i32
    %add3A_742 = arith.addi %mul3A_2, %add3A_741 : i32
    %dma_wait3A_743 = arith.constant 0 : i32
    %dma_wait3A_744 = tpu.memref_slice %arg4[%add3A_742, %dma_wait3A_743] : memref<4096x4096xf32, #tpu.memory_space<hbm>> -> memref<4x4096xf32, #tpu.memory_space<hbm>>
    %dma_wait3A_745 = arith.constant 0 : i32
    %dma_wait3A_746 = tpu.memref_slice %arg4[%add3A_742, %dma_wait3A_745] : memref<4096x4096xf32, #tpu.memory_space<hbm>> -> memref<4x4096xf32, #tpu.memory_space<hbm>>
    tpu.wait_dma2 semaphore(%arg26 : memref<!tpu.dma_semaphore, #tpu.memory_space<semaphore_mem>>) src(%arg11 : memref<4x4096xf32, #tpu.memory_space<vmem>>) dst(%dma_wait3A_746 : memref<4x4096xf32, #tpu.memory_space<hbm>>)
    %add3A_747 = arith.constant 112 : i32
    %add3A_748 = arith.addi %mul3A_2, %add3A_747 : i32
    %dma_wait3A_749 = arith.constant 0 : i32
    %dma_wait3A_750 = tpu.memref_slice %arg4[%add3A_748, %dma_wait3A_749] : memref<4096x4096xf32, #tpu.memory_space<hbm>> -> memref<4x4096xf32, #tpu.memory_space<hbm>>
    %dma_wait3A_751 = arith.constant 0 : i32
    %dma_wait3A_752 = tpu.memref_slice %arg4[%add3A_748, %dma_wait3A_751] : memref<4096x4096xf32, #tpu.memory_space<hbm>> -> memref<4x4096xf32, #tpu.memory_space<hbm>>
    tpu.wait_dma2 semaphore(%arg20 : memref<!tpu.dma_semaphore, #tpu.memory_space<semaphore_mem>>) src(%arg5 : memref<4x4096xf32, #tpu.memory_space<vmem>>) dst(%dma_wait3A_752 : memref<4x4096xf32, #tpu.memory_space<hbm>>)
    %add3A_753 = arith.constant 116 : i32
    %add3A_754 = arith.addi %mul3A_2, %add3A_753 : i32
    %dma_wait3A_755 = arith.constant 0 : i32
    %dma_wait3A_756 = tpu.memref_slice %arg4[%add3A_754, %dma_wait3A_755] : memref<4096x4096xf32, #tpu.memory_space<hbm>> -> memref<4x4096xf32, #tpu.memory_space<hbm>>
    %dma_wait3A_757 = arith.constant 0 : i32
    %dma_wait3A_758 = tpu.memref_slice %arg4[%add3A_754, %dma_wait3A_757] : memref<4096x4096xf32, #tpu.memory_space<hbm>> -> memref<4x4096xf32, #tpu.memory_space<hbm>>
    tpu.wait_dma2 semaphore(%arg21 : memref<!tpu.dma_semaphore, #tpu.memory_space<semaphore_mem>>) src(%arg6 : memref<4x4096xf32, #tpu.memory_space<vmem>>) dst(%dma_wait3A_758 : memref<4x4096xf32, #tpu.memory_space<hbm>>)
    %add3A_759 = arith.constant 120 : i32
    %add3A_760 = arith.addi %mul3A_2, %add3A_759 : i32
    %dma_wait3A_761 = arith.constant 0 : i32
    %dma_wait3A_762 = tpu.memref_slice %arg4[%add3A_760, %dma_wait3A_761] : memref<4096x4096xf32, #tpu.memory_space<hbm>> -> memref<4x4096xf32, #tpu.memory_space<hbm>>
    %dma_wait3A_763 = arith.constant 0 : i32
    %dma_wait3A_764 = tpu.memref_slice %arg4[%add3A_760, %dma_wait3A_763] : memref<4096x4096xf32, #tpu.memory_space<hbm>> -> memref<4x4096xf32, #tpu.memory_space<hbm>>
    tpu.wait_dma2 semaphore(%arg22 : memref<!tpu.dma_semaphore, #tpu.memory_space<semaphore_mem>>) src(%arg7 : memref<4x4096xf32, #tpu.memory_space<vmem>>) dst(%dma_wait3A_764 : memref<4x4096xf32, #tpu.memory_space<hbm>>)
    %add3A_765 = arith.constant 124 : i32
    %add3A_766 = arith.addi %mul3A_2, %add3A_765 : i32
    %dma_wait3A_767 = arith.constant 0 : i32
    %dma_wait3A_768 = tpu.memref_slice %arg4[%add3A_766, %dma_wait3A_767] : memref<4096x4096xf32, #tpu.memory_space<hbm>> -> memref<4x4096xf32, #tpu.memory_space<hbm>>
    %dma_wait3A_769 = arith.constant 0 : i32
    %dma_wait3A_770 = tpu.memref_slice %arg4[%add3A_766, %dma_wait3A_769] : memref<4096x4096xf32, #tpu.memory_space<hbm>> -> memref<4x4096xf32, #tpu.memory_space<hbm>>
    tpu.wait_dma2 semaphore(%arg23 : memref<!tpu.dma_semaphore, #tpu.memory_space<semaphore_mem>>) src(%arg8 : memref<4x4096xf32, #tpu.memory_space<vmem>>) dst(%dma_wait3A_770 : memref<4x4096xf32, #tpu.memory_space<hbm>>)
    return
  }
}

</mosaic_0001>

<sc_bundles>
// kernel: kernel.3.cloned.1.call-start
scs
__scs_entry_jumppad:
0x0: {  	(pc) =	sbr.rel $0x88, $3  }
0x1: {  	(tag) =	ssettag $0x0;
	lr =	simm.s32 $0x1  }
0x2: {  	[smem:$0x3F9F] =	sst lr;
	_ =	strace $0xD0000000  }
0x3: {  	_ = 	snop  }
0x4: {  	_ = 	snop  }
0x5: {  	_ = 	snop  }
0x6: {  	_ = 	snop  }
0x7: {  	_ = 	snop  }
__scs_overlays_trampoline_lowered:
0x8: {  	[smem:$0x3FAE] =	sst s0  }
0x9: {  	[smem:$0x3FAF] =	sst s1  }
0xa: {  	[smem:$0x3FB0] =	sst s2  }
0xb: {  	[smem:$0x3FB1] =	sst s3  }
0xc: {  	[smem:$0x3FB2] =	sst s4  }
0xd: {  	[smem:$0x3FB3] =	sst s5  }
0xe: {  	[smem:$0x3FB4] =	sst s6  }
0xf: {  	[smem:$0x3FB5] =	sst s7  }
0x10: {  	[smem:$0x3FB6] =	sst s8  }
0x11: {  	[smem:$0x3FB7] =	sst s9;
	s0 =	simm.s32 @!p0 $0x0  }
0x12: {  	s1 =	sld [smem:$0x3F9D];
	s0 =	simm.s32 @p0 $0x1  }
0x13: {  	[smem:$0x3FB8] =	sst s0;
	s0 =	simm.s32 @!p1 $0x0  }
0x14: {  	s2 =	sld [smem:$0x3F9C];
	s0 =	simm.s32 @p1 $0x1  }
0x15: {  	[smem:$0x3FB9] =	sst s0;
	s0 =	simm.s32 @!p2 $0x0  }
0x16: {  	s3 =	sld [smem:$0x3FDB];
	s0 =	simm.s32 @p2 $0x1  }
0x17: {  	s4 =	simm.s32 $0x1BF5;
	[smem:$0x3FBB] =	sst s0  }
0x18: {  	s0 =	sld [smem:$0x3F9E];
	_ =	swait.ge [sflag:s4], $0x0  }
0x19: {  	s7 =	sld [smem:$0x3F9F]  }
0x1a: {  	s8 =	sadd.s32 $0xFFFFE003, lr  }
0x1b: {  	s9 =	sadd.s32 $0xFFFFFEF7, lr;
	s5 =	simm.s32 $0xFFFFFFFF;
	p2 =	slt.u32 s8, $0xFFFFF086  }
0x1c: {  	p1 =	slt.u32 s9, $0xF7A;
	s5 =	simm.s32 @!p2 $0x0  }
0x1d: {  	s5 =	simm.s32 @p1 $0x1;
	p0 =	seq.s32 s7, s2  }
0x1e: {  	s7 =	smul.u32 @!p0 $0xF7A, s2;
	p2 =	seq.s32 @!p0 s5, $0x0  }
0x1f: {  	s9 =	smul.u32 $0xF7A, s1;
	s8 =	simm.s32 @!p0 $0x1BF5;
	p2 =	por !p2, p0  }
0x20: {  	[sflag:s8] =	ssyncset.s32 @!p0 $0xFFFFF086;
	s6 =	sadd.s32 @!p0 s3, s7;
	s7 =	simm.s32 @!p0 $0x108  }
0x21: {  	s3 =	sadd.s32 s3, s9;
	s6 =	sadd.s32 @!p0 $0x88, s6;
	s7 =	simm.s32 @p2 $0x1082  }
0x22: {  	[simem:s7], [sflag:s8] =	dma.local @!p0 [hbm:s6], $0xF7A  }
0x23: {  	s9 =	sor.u32 $0xD0000000, s2;
	s6 =	simm.s32 $0x108;
	_ =	swait.ge @!p0 [sflag:s8], $0x0  }
0x24: {  	s3 =	sadd.s32 $0x88, s3;
	s6 =	simm.s32 @!p1 $0x1082;
	[sflag:s4] =	ssyncset.s32 $0xFFFFF086  }
0x25: {  	[simem:s6], [sflag:s4] =	dma.local [hbm:s3], $0xF7A  }
0x26: {  	[smem:$0x3F9F] =	sst s1;
	(tag) =	ssettag s2;
	_ =	strace s9  }
0x27: {  	s1 =	sld [smem:$0x3FAF]  }
0x28: {  	s2 =	sld [smem:$0x3FB0]  }
0x29: {  	s4 =	sld [smem:$0x3FB2]  }
0x2a: {  	p0 =	seq.s32 s5, $0x0;
	s5 =	sld [smem:$0x3FB3]  }
0x2b: {  	s6 =	sld [smem:$0x3FB4]  }
0x2c: {  	s7 =	sld [smem:$0x3FB5]  }
0x2d: {  	s3 =	simm.s32 $0x108;
	s8 =	sld [smem:$0x3FB6]  }
0x2e: {  	s3 =	simm.s32 @!p0 $0x1082;
	s9 =	sld [smem:$0x3FB7]  }
0x2f: {  	lr =	sadd.s32 s0, s3;
	s0 =	sld [smem:$0x3FAE]  }
0x30: {  	s3 =	sld [smem:$0x3FB1]  }
0x31: {  	[smem:$0x3FBA] =	sst s10  }
0x32: {  	s10 =	sld [smem:$0x3FB8];
	_ =	sdelay $0x3  }
0x33: {  	p0 =	seq.s32 s10, $0x1;
	s10 =	sld [smem:$0x3FBA];
	_ =	sdelay $0x3  }
0x34: {  	[smem:$0x3FBA] =	sst s10  }
0x35: {  	s10 =	sld [smem:$0x3FB9];
	_ =	sdelay $0x3  }
0x36: {  	p1 =	seq.s32 s10, $0x1;
	s10 =	sld [smem:$0x3FBA];
	_ =	sdelay $0x3  }
0x37: {  	[smem:$0x3FBA] =	sst s10  }
0x38: {  	s10 =	sld [smem:$0x3FBB]  }
0x39: {  	_ = 	snop;
	(pc) =	sbr.ind lr, $3  }
0x3a: {  	_ = 	snop  }
0x3b: {  	_ = 	snop  }
0x3c: {  	p2 =	seq.s32 s10, $0x1;
	s10 =	sld [smem:$0x3FBA]  }
0x3d: {  	_ =	shalt  }
0x3e: {  	_ =	shalt  }
0x3f: {  	_ =	shalt  }
0x40: {  	_ =	shalt  }
0x41: {  	_ =	shalt  }
0x42: {  	_ =	shalt  }
0x43: {  	_ =	shalt  }
0x44: {  	_ =	shalt  }
0x45: {  	_ =	shalt  }
0x46: {  	_ =	shalt  }
0x47: {  	_ =	shalt  }
0x48: {  	_ =	shalt  }
0x49: {  	_ =	shalt  }
0x4a: {  	_ =	shalt  }
0x4b: {  	_ =	shalt  }
0x4c: {  	_ =	shalt  }
0x4d: {  	_ =	shalt  }
0x4e: {  	_ =	shalt  }
0x4f: {  	_ =	shalt  }
0x50: {  	_ =	shalt  }
0x51: {  	_ =	shalt  }
0x52: {  	_ =	shalt  }
0x53: {  	_ =	shalt  }
0x54: {  	_ =	shalt  }
0x55: {  	_ =	shalt  }
0x56: {  	_ =	shalt  }
0x57: {  	_ =	shalt  }
0x58: {  	_ =	shalt  }
0x59: {  	_ =	shalt  }
0x5a: {  	_ =	shalt  }
0x5b: {  	_ =	shalt  }
0x5c: {  	_ =	shalt  }
0x5d: {  	_ =	shalt  }
0x5e: {  	_ =	shalt  }
0x5f: {  	_ =	shalt  }
0x60: {  	_ =	shalt  }
0x61: {  	_ =	shalt  }
0x62: {  	_ =	shalt  }
0x63: {  	_ =	shalt  }
0x64: {  	_ =	shalt  }
0x65: {  	_ =	shalt  }
0x66: {  	_ =	shalt  }
0x67: {  	_ =	shalt  }
0x68: {  	_ =	shalt  }
0x69: {  	_ =	shalt  }
0x6a: {  	_ =	shalt  }
0x6b: {  	_ =	shalt  }
0x6c: {  	_ =	shalt  }
0x6d: {  	_ =	shalt  }
0x6e: {  	_ =	shalt  }
0x6f: {  	_ =	shalt  }
0x70: {  	_ =	shalt  }
0x71: {  	_ =	shalt  }
0x72: {  	_ =	shalt  }
0x73: {  	_ =	shalt  }
0x74: {  	_ =	shalt  }
0x75: {  	_ =	shalt  }
0x76: {  	_ =	shalt  }
0x77: {  	_ =	shalt  }
0x78: {  	_ =	shalt  }
0x79: {  	_ =	shalt  }
0x7a: {  	_ =	shalt  }
0x7b: {  	_ =	shalt  }
0x7c: {  	_ =	shalt  }
0x7d: {  	_ =	shalt  }
0x7e: {  	_ =	shalt  }
0x7f: {  	_ =	shalt  }
0x80: {  	_ =	shalt  }
0x81: {  	_ =	shalt  }
0x82: {  	_ =	shalt  }
0x83: {  	_ =	shalt  }
0x84: {  	_ =	shalt  }
0x85: {  	_ =	shalt  }
0x86: {  	_ =	shalt  }
0x87: {  	_ =	shalt  }
.Lfunc_end0:
.L_simem_size_0:
called_computation_lowered:
.L_overlay_start_0:
0x88: {  	s2 =	sld [smem:$0x3FD9]  }
0x89: {  	s3 =	sld [smem:$0x3FFE];
	_ =	sdelay $0x1  }
0x8a: {  	s1 =	srdreg.scid  }
0x8b: {  	s0 =	sand.u32 $0x1, s1  }
0x8c: {  	s18 =	sshll.u32 s0, $0xA;
	s2 =	sadd.s32 s3, s2  }
0x8d: {  	s2 =	sadd.s32 s2, s18  }
0x8e: {  	[smem:$0x3FC6] =	sst s2  }
0x8f: {  	_ = 	snop  }
0x90: {  	s2 =	sld [smem:$0x3FC9]  }
0x91: {  	s19 =	sld [smem:$0x3FC8]  }
0x92: {  	s4 =	sld [smem:$0x3FD0];
	(tm) =	ssettm $0x1  }
0x93: {  	s5 =	sld [smem:$0x3FFB];
	_ =	sdelay $0x3  }
0x94: {  	_ =	strace s5  }
0x95: {  	s5 =	sld [smem:$0x3FFC];
	_ =	sdelay $0x3  }
0x96: {  	_ =	strace s5  }
0x97: {  	s5 =	sld [smem:$0x3FFD];
	_ =	sdelay $0x3  }
0x98: {  	_ =	strace s5  }
0x99: {  	_ =	strace $0x8FFFFFFF  }
0x9a: {  	s20 =	sld [smem:$0x3FDB];
	_ =	sdelay $0x1  }
0x9b: {  	s6 =	simm.s32 $_scs_section_size  }
0x9c: {  	s7 =	simm.s32 $_size__tile_overlayer_lowered;
	s8 =	simm.s32 $_tile_overlayer_lowered  }
0x9d: {  	s23 =	simm.s32 $0x1BFF;
	s22 =	sshll.u32 s8, $0x1;
	s5 =	sadd.s32 s6, s20  }
0x9e: {  	s9 =	simm.s32 $0x0;
	s21 =	sshll.u32 s7, $0x1;
	s7 =	sadd.s32 s22, s5  }
0x9f: {  	[timem:s9], [sflag:s23] =	dma.local [hbm:s7], s21  }
0xa0: {  	_ =	swait.ge [sflag:s23], s21  }
0xa1: {  	s6 =	ssub.s32 $0x0, s21;
	[sflag:s23] =	ssyncset.done $0x0  }
0xa2: {  	[sflag:s23] =	ssyncadd.s32 s6;
	_ =	sdelay $0x1  }
0xa3: {  	s24 =	simm.s32 $0x1B8B  }
0xa4: {  	_ =	swait.ge [sflag:s24], $0x1  }
0xa5: {  	[sflag:s24] =	ssyncset.done $0x0  }
0xa6: {  	s25 =	simm.s32 $0x1B8E;
	[sflag:s24] =	ssyncadd.s32 $0xFFFFFFFF  }
0xa7: {  	s26 =	simm.s32 $execute0_lowered;
	[smem:$0x3FD2] =	sst s25  }
0xa8: {  	s6 =	sshll.u32 s26, $0x1;
	_ =	strace $0x80000046;
	[dreg:$0x1] =	wrdreg $0xFFFFFFFF  }
0xa9: {  	s28 =	simm.s32 $_size_execute0_lowered;
	s5 =	sadd.s32 s5, s6;
	[dreg:$0x0] =	wrdreg $0x0  }
0xaa: {  	s6 =	sshll.u32 s28, $0x1;
	[dreg:$0x2] =	wrdreg s5  }
0xab: {  	[dreg:$0x3] =	wrdreg s6  }
0xac: {  	[dreg:$0x4] =	wrdreg $0xC0  }
0xad: {  	_ =	task [dreg:s9], $0x5FFFF  }
0xae: {  	[dreg:$0x1] =	wrdreg $0xFFFFFFFF  }
0xaf: {  	[dreg:$0x0] =	wrdreg $0x60  }
0xb0: {  	[dreg:$0x2] =	wrdreg s2  }
0xb1: {  	[dreg:$0x3] =	wrdreg s19  }
0xb2: {  	[dreg:$0x4] =	wrdreg s4  }
0xb3: {  	[dreg:$0x5] =	wrdreg $0x9  }
0xb4: {  	_ =	task.clear_ibuf [dreg:s9], $0x6FFFF;
	_ =	strace $0x90000046  }
0xb5: {  	s29 =	simm.s32 $0x9;
	_ =	strace $0x80000048  }
0xb6: {  	_ =	swait.ge [sflag:s29], $0x1  }
0xb7: {  	[sflag:s29] =	ssyncadd.s32 $0xFFFFFFFF  }
0xb8: {  	_ =	strace $0x90000048  }
0xb9: {  	_ =	sfence  }
0xba: {  	s30 =	sld [smem:$0x0];
	_ =	sdelay $0x2  }
0xbb: {  	s31 =	sshll.u32 s1, $0xD;
	s1 =	sshrl.u32 s1, $0x2  }
0xbc: {  	s3 =	sand.u32 $0x4000, s31;
	s1 =	sadd.s32 s1, s30  }
0xbd: {  	s0 =	sor.u32 s3, s0;
	s1 =	sshll.u32 s1, $0x11  }
0xbe: {  	s0 =	sor.u32 s1, s0  }
0xbf: {  	s0 =	sadd.s32 $0x8F2B, s0  }
0xc0: {  	[sflag:s0] =	ssyncadd.remote.s32 $0x1  }
0xc1: {  	_ =	sfence.sel $0xFFFF  }
0xc2: {  	[dreg:$0x0] =	wrdreg $0xFFFFFFFF;
	(pc) =	sbr.abs _section_cstart, $3  }
0xc3: {  	[dreg:$0x1] =	wrdreg $0xFFFFFFFF  }
0xc4: {  	_ =	task.clear_ibuf [dreg:s9], $0x2FFFF;
	_ =	strace $0x9FFFFFFF  }
0xc5: {  	(tm) =	ssettm $0x7FFFFFFF  }
tec
execute0_lowered:
.L_overlay_start_1:
0x0: {  	(tag) =	ssettag $0x1  }
0x1: {  	s3 =	rddreg [dreg:$0x0]  }
0x2: {  	s2 =	srdreg.scid;
	s31 =	stileid.u32  }
0x3: {  	s0 =	rddreg [dreg:$0x1];
	s4 =	sand.u32 $0x1, s2;
	s5 =	sshll.u32 s31, $0x1  }
0x4: {  	[dreg:$0x4] =	wrdreg s0;
	s2 =	simm.s32 $0x0;
	s5 =	sor.u32 s4, s5  }
0x5: {  	[smem:$0x7FF] =	sst s2;
	s6 =	sshll.u32 s5, $0x10  }
0x6: {  	s1 =	rddreg [dreg:$0x2];
	_ =	strace $0x80000047;
	s7 =	sadd.s32 s3, s6  }
0x7: {  	s8 =	sor.u32 $0x40, s6;
	s0 =	sadd.s32 s1, s6;
	[dreg:$0x5] =	wrdreg s7  }
0x8: {  	s9 =	sor.u32 $0x1000, s6;
	s21 =	sadd.s32 s3, s8;
	[dreg:$0xc] =	wrdreg s0  }
0x9: {  	s10 =	sor.u32 $0x1040, s6;
	s22 =	sadd.s32 s3, s9;
	[dreg:$0x6] =	wrdreg s21  }
0xa: {  	s11 =	sor.u32 $0x2000, s6;
	s23 =	sadd.s32 s3, s10;
	[dreg:$0x7] =	wrdreg s22  }
0xb: {  	s12 =	sor.u32 $0x2040, s6;
	s24 =	sadd.s32 s3, s11;
	[dreg:$0x8] =	wrdreg s23  }
0xc: {  	s13 =	sor.u32 $0x3000, s6;
	s25 =	sadd.s32 s3, s12;
	[dreg:$0x9] =	wrdreg s24  }
0xd: {  	s26 =	sadd.s32 s3, s13;
	[dreg:$0xa] =	wrdreg s25  }
0xe: {  	s14 =	sadd.s32 s1, s8;
	[dreg:$0xb] =	wrdreg s26  }
0xf: {  	s15 =	sadd.s32 s1, s9;
	[dreg:$0xd] =	wrdreg s14  }
0x10: {  	s17 =	sor.u32 $0x3040, s6;
	s16 =	sadd.s32 s1, s10;
	[dreg:$0xe] =	wrdreg s15  }
0x11: {  	s18 =	sadd.s32 s3, s17;
	[dreg:$0xf] =	wrdreg s16  }
0x12: {  	s19 =	sadd.s32 s1, s11;
	[dreg:$0x10] =	wrdreg s18  }
0x13: {  	s20 =	sor.u32 $0x4000, s6;
	s8 =	sadd.s32 s1, s17;
	[dreg:$0x11] =	wrdreg s19  }
0x14: {  	s21 =	sadd.s32 s3, s20;
	[dreg:$0x17] =	wrdreg s8  }
0x15: {  	s30 =	simm.s32 $0xF;
	s22 =	sadd.s32 s1, s12;
	[dreg:$0x12] =	wrdreg s21  }
0x16: {  	s29 =	simm.s32 $0x5;
	s25 =	sadd.s32 s1, s13;
	[dreg:$0x13] =	wrdreg s22  }
0x17: {  	s23 =	sor.u32 $0x4040, s6;
	s14 =	sadd.s32 s1, s20;
	[dreg:$0x15] =	wrdreg s25  }
0x18: {  	s26 =	sor.u32 $0x5000, s6;
	s24 =	sadd.s32 s3, s23;
	[dreg:$0x19] =	wrdreg s14  }
0x19: {  	s12 =	sor.u32 $0x5040, s6;
	s0 =	sadd.s32 s3, s26;
	[dreg:$0x14] =	wrdreg s24  }
0x1a: {  	s15 =	sor.u32 $0x6000, s6;
	s13 =	sadd.s32 s3, s12;
	[dreg:$0x16] =	wrdreg s0  }
0x1b: {  	s28 =	simm.s32 $0x6;
	s16 =	sadd.s32 s3, s15;
	[dreg:$0x18] =	wrdreg s13  }
0x1c: {  	s18 =	sor.u32 $0x6040, s6;
	s17 =	sadd.s32 s1, s23;
	[dreg:$0x1a] =	wrdreg s16  }
0x1d: {  	p1 =	por $0x0, $0x0;
	s19 =	sadd.s32 s3, s18;
	[dreg:$0x1b] =	wrdreg s17  }
0x1e: {  	s4 =	ssub.s32 $0x2, s4;
	s20 =	sadd.s32 s1, s26;
	[dreg:$0x1c] =	wrdreg s19  }
0x1f: {  	p0 =	sne.s32 s5, $0x10;
	s23 =	sadd.s32 s1, s12;
	[dreg:$0x1d] =	wrdreg s20  }
0x20: {  	s21 =	sor.u32 $0x7000, s6;
	s26 =	sadd.s32 s1, s15;
	[dreg:$0x1f] =	wrdreg s23  }
0x21: {  	s5 =	simm.s32 $0x9;
	s22 =	sadd.s32 s3, s21;
	[smem:$0x7DE] =	sst s26  }
0x22: {  	s14 =	sor.u32 $0x8040, s6;
	s13 =	sadd.s32 s1, s18;
	[dreg:$0x1e] =	wrdreg s22  }
0x23: {  	s10 =	simm.s32 $0x400;
	s15 =	sadd.s32 s3, s14;
	[smem:$0x7E0] =	sst s13  }
0x24: {  	s24 =	sor.u32 $0x7040, s6;
	s16 =	sadd.s32 s1, s21;
	[smem:$0x7E1] =	sst s15  }
0x25: {  	s0 =	sor.u32 $0x8000, s6;
	s25 =	sadd.s32 s3, s24;
	[smem:$0x7E2] =	sst s16  }
0x26: {  	s17 =	sor.u32 $0x9000, s6;
	s12 =	sadd.s32 s3, s0;
	[smem:$0x7DD] =	sst s25  }
0x27: {  	s7 =	simm.s32 $0x8;
	s18 =	sadd.s32 s3, s17;
	[smem:$0x7DF] =	sst s12  }
0x28: {  	s20 =	sor.u32 $0x9040, s6;
	s19 =	sadd.s32 s1, s24;
	[smem:$0x7E3] =	sst s18  }
0x29: {  	s8 =	simm.s32 $0xB;
	s21 =	sadd.s32 s3, s20;
	[smem:$0x7E4] =	sst s19  }
0x2a: {  	s23 =	sor.u32 $0xA000, s6;
	s22 =	sadd.s32 s1, s0;
	[smem:$0x7E5] =	sst s21  }
0x2b: {  	s26 =	sor.u32 $0xA040, s6;
	s24 =	sadd.s32 s3, s23;
	[smem:$0x7E6] =	sst s22  }
0x2c: {  	s0 =	sadd.s32 s3, s26;
	s11 =	sadd.s32 s1, s17;
	[smem:$0x7E7] =	sst s24  }
0x2d: {  	s15 =	sor.u32 $0xB040, s6;
	s17 =	sadd.s32 s1, s23;
	[smem:$0x7E9] =	sst s0  }
0x2e: {  	s25 =	sadd.s32 s1, s14;
	s12 =	sor.u32 $0xB000, s6;
	[smem:$0x7EA] =	sst s11  }
0x2f: {  	s14 =	sadd.s32 s1, s20;
	s16 =	sadd.s32 s3, s15;
	[smem:$0x7EE] =	sst s17  }
0x30: {  	s18 =	sor.u32 $0xC000, s6;
	s20 =	sadd.s32 s1, s26;
	[smem:$0x7E8] =	sst s25  }
0x31: {  	s21 =	sor.u32 $0xC040, s6;
	s24 =	sor.u32 $0xD000, s6;
	[smem:$0x7EC] =	sst s14  }
0x32: {  	s26 =	sadd.s32 s1, s15;
	s0 =	sor.u32 $0xD040, s6;
	[smem:$0x7ED] =	sst s16  }
0x33: {  	s17 =	sor.u32 $0xE040, s6;
	s11 =	simm.s32 $0xA;
	[smem:$0x7F0] =	sst s20  }
0x34: {  	s13 =	sadd.s32 s3, s12;
	s19 =	sadd.s32 s3, s18;
	[smem:$0x7F4] =	sst s26  }
0x35: {  	s22 =	sadd.s32 s3, s21;
	s23 =	sadd.s32 s1, s12;
	[smem:$0x7EB] =	sst s13  }
0x36: {  	s25 =	sadd.s32 s3, s24;
	s12 =	sadd.s32 s3, s0;
	[smem:$0x7EF] =	sst s19  }
0x37: {  	s14 =	sor.u32 $0xE000, s6;
	s16 =	sadd.s32 s1, s21;
	[smem:$0x7F1] =	sst s22  }
0x38: {  	s20 =	sor.u32 $0xF000, s6;
	s6 =	sor.u32 $0xF040, s6;
	[smem:$0x7F2] =	sst s23  }
0x39: {  	s9 =	sadd.s32 s1, s17;
	s26 =	simm.s32 $0x10000;
	[smem:$0x7F3] =	sst s25  }
0x3a: {  	[smem:$0x7F5] =	sst s12;
	s13 =	sadd.s32 s1, s18;
	s15 =	sadd.s32 s3, s14  }
0x3b: {  	[smem:$0x7F8] =	sst s16;
	s18 =	sadd.s32 s3, s17;
	s19 =	sadd.s32 s1, s24  }
0x3c: {  	s21 =	sadd.s32 s3, s20;
	s22 =	sadd.s32 s1, s0;
	[smem:$0x7F6] =	sst s13  }
0x3d: {  	s23 =	sshrl.u32 s4, $0x1;
	s3 =	sadd.s32 s3, s6;
	[smem:$0x7F7] =	sst s15  }
0x3e: {  	s12 =	sadd.s32 s1, s14;
	[smem:$0x7F9] =	sst s18;
	s24 =	ssub.s32 s4, s23  }
0x3f: {  	s14 =	simm.s32 $0x8000;
	[smem:$0x7FA] =	sst s19;
	s25 =	smax.u32 s24, $0x1  }
0x40: {  	s17 =	simm.s32 $0x3;
	[smem:$0x7FB] =	sst s21;
	s0 =	sadd.s32 $0xFFFFFFFF, s25  }
0x41: {  	s16 =	simm.s32 $0x4;
	[smem:$0x7FC] =	sst s22;
	p2 =	sne.s32 s0, $0x0  }
.Ltmp0:
0x42: {  	[smem:$0x7FD] =	sst s3;
	s4 =	sadd.s32 s1, s20;
	(pc) =	sbr.rel @!p2 .LBB2_5-.Ltmp0, $4  }
0x43: {  	s3 =	sadd.s32 s1, s6;
	s6 =	simm.s32 $0x200;
	s15 =	simm.s32 $0x4000  }
0x44: {  	s13 =	simm.s32 $0xC000;
	s23 =	simm.s32 $0x18000;
	s22 =	simm.s32 $0x1  }
0x45: {  	s19 =	simm.s32 $0x2;
	s21 =	simm.s32 $0xC;
	s20 =	simm.s32 $0xD  }
0x46: {  	vm0 =	vmmov @!p0 $0x1;
	s18 =	simm.s32 $0xE;
	s24 =	simm.s32 $0x14000;
	s25 =	simm.s32 $0x7  }
0x47: {  	s31 =	smov.u32 s0;
	s0 =	rddreg [dreg:$0x4];
	s1 =	simm.s32 $0x1C000  }
0x48: {  	[tilespmem:s1], [sflag:$0xF] =	stream.linear.gather [hbm4b:s0+s2], $0x1, $0x38;
	[tilespmem:$0x1C080] =	vst v63  }
0x49: {  	_ =	swait.ge [sflag:s30], $0x1  }
0x4a: {  	[sflag:s30] =	ssyncset.done $0x0  }
0x4b: {  	s0 =	rddreg [dreg:$0x5];
	[sflag:s30] =	ssyncadd.s32 $0xFFFFFFFF  }
0x4c: {  	[tilespmem:s2], [sflag:$0x1] =	stream.strided.gather [hbm4b:s0+s6], $0x4000, s10, s6, $0x38;
	[tilespmem:$0x1C080] =	vst v63  }
0x4d: {  	s1 =	rddreg [dreg:$0x6]  }
0x4e: {  	[tilespmem:s15], [sflag:$0x2] =	stream.strided.gather [hbm4b:s1+s6], $0x4000, s10, s6, $0x38;
	[tilespmem:$0x1C080] =	vst v63  }
0x4f: {  	s0 =	rddreg [dreg:$0x7]  }
0x50: {  	[tilespmem:s14], [sflag:$0x3] =	stream.strided.gather [hbm4b:s0+s6], $0x4000, s10, s6, $0x38;
	[tilespmem:$0x1C080] =	vst v63  }
0x51: {  	s1 =	rddreg [dreg:$0x8]  }
0x52: {  	[tilespmem:s13], [sflag:$0x4] =	stream.strided.gather [hbm4b:s1+s6], $0x4000, s10, s6, $0x38;
	[tilespmem:$0x1C080] =	vst v63  }
0x53: {  	s0 =	rddreg [dreg:$0x9]  }
0x54: {  	[tilespmem:s26], [sflag:$0x5] =	stream.strided.gather [hbm4b:s0+s6], $0x4000, s10, s6, $0x38;
	[tilespmem:$0x1C080] =	vst v63  }
0x55: {  	s1 =	rddreg [dreg:$0xa]  }
0x56: {  	[tilespmem:s24], [sflag:$0x6] =	stream.strided.gather [hbm4b:s1+s6], $0x4000, s10, s6, $0x38;
	[tilespmem:$0x1C080] =	vst v63  }
0x57: {  	s0 =	rddreg [dreg:$0xb]  }
0x58: {  	[tilespmem:s23], [sflag:$0x7] =	stream.strided.gather [hbm4b:s0+s6], $0x4000, s10, s6, $0x38;
	[tilespmem:$0x1C080] =	vst v63  }
0x59: {  	_ =	swait.ge [sflag:s22], $0x4000  }
0x5a: {  	[sflag:s22] =	ssyncset.done $0x0  }
0x5b: {  	[sflag:s22] =	ssyncadd.s32 $0xFFFFC000  }
0x5c: {  	v0 =	vld @!p0 [tilespmem:$0x2000]  }
0x5d: {  	v1 =	vld @!p0 [tilespmem:$0x1C000];
	_ =	sdelay $0x4  }
0x5e: {  	v0 =	vsel @!p0 vm0, v1, v0  }
0x5f: {  	s1 =	rddreg [dreg:$0xc];
	[tilespmem:$0x2000] =	vst @!p0 v0  }
0x60: {  	[hbm4b:s1+s6] =	stream.strided.scatter [tilespmem:s2], [sflag:$0x8], $0x4000, s10, s6, $0x38;
	[tilespmem:$0x1C080] =	vst v63  }
0x61: {  	_ =	swait.ge [sflag:s19], $0x4000  }
0x62: {  	[sflag:s19] =	ssyncset.done $0x0  }
0x63: {  	s1 =	rddreg [dreg:$0xd];
	[sflag:s19] =	ssyncadd.s32 $0xFFFFC000  }
0x64: {  	[hbm4b:s1+s6] =	stream.strided.scatter [tilespmem:s15], [sflag:$0x9], $0x4000, s10, s6, $0x38;
	[tilespmem:$0x1C080] =	vst v63  }
0x65: {  	_ =	swait.ge [sflag:s17], $0x4000  }
0x66: {  	[sflag:s17] =	ssyncset.done $0x0  }
0x67: {  	s1 =	rddreg [dreg:$0xe];
	[sflag:s17] =	ssyncadd.s32 $0xFFFFC000  }
0x68: {  	[hbm4b:s1+s6] =	stream.strided.scatter [tilespmem:s14], [sflag:$0xA], $0x4000, s10, s6, $0x38;
	[tilespmem:$0x1C080] =	vst v63  }
0x69: {  	_ =	swait.ge [sflag:s16], $0x4000  }
0x6a: {  	[sflag:s16] =	ssyncset.done $0x0  }
0x6b: {  	s1 =	rddreg [dreg:$0xf];
	[sflag:s16] =	ssyncadd.s32 $0xFFFFC000  }
0x6c: {  	[hbm4b:s1+s6] =	stream.strided.scatter [tilespmem:s13], [sflag:$0xB], $0x4000, s10, s6, $0x38;
	[tilespmem:$0x1C080] =	vst v63  }
0x6d: {  	_ =	swait.ge [sflag:s7], $0x4000  }
0x6e: {  	[sflag:s7] =	ssyncset.done $0x0  }
0x6f: {  	s1 =	rddreg [dreg:$0x10];
	[sflag:s7] =	ssyncadd.s32 $0xFFFFC000  }
0x70: {  	[tilespmem:s2], [sflag:$0x1] =	stream.strided.gather [hbm4b:s1+s6], $0x4000, s10, s6, $0x38;
	[tilespmem:$0x1C080] =	vst v63  }
0x71: {  	_ =	swait.ge [sflag:s29], $0x4000  }
0x72: {  	[sflag:s29] =	ssyncset.done $0x0  }
0x73: {  	s1 =	rddreg [dreg:$0x11];
	[sflag:s29] =	ssyncadd.s32 $0xFFFFC000  }
0x74: {  	[hbm4b:s1+s6] =	stream.strided.scatter [tilespmem:s26], [sflag:$0xC], $0x4000, s10, s6, $0x38;
	[tilespmem:$0x1C080] =	vst v63  }
0x75: {  	_ =	swait.ge [sflag:s5], $0x4000  }
0x76: {  	[sflag:s5] =	ssyncset.done $0x0  }
0x77: {  	s1 =	rddreg [dreg:$0x12];
	[sflag:s5] =	ssyncadd.s32 $0xFFFFC000  }
0x78: {  	[tilespmem:s15], [sflag:$0x2] =	stream.strided.gather [hbm4b:s1+s6], $0x4000, s10, s6, $0x38;
	[tilespmem:$0x1C080] =	vst v63  }
0x79: {  	_ =	swait.ge [sflag:s28], $0x4000  }
0x7a: {  	[sflag:s28] =	ssyncset.done $0x0  }
0x7b: {  	s1 =	rddreg [dreg:$0x13];
	[sflag:s28] =	ssyncadd.s32 $0xFFFFC000  }
0x7c: {  	[hbm4b:s1+s6] =	stream.strided.scatter [tilespmem:s24], [sflag:$0xD], $0x4000, s10, s6, $0x38;
	[tilespmem:$0x1C080] =	vst v63  }
0x7d: {  	_ =	swait.ge [sflag:s11], $0x4000  }
0x7e: {  	[sflag:s11] =	ssyncset.done $0x0  }
0x7f: {  	s1 =	rddreg [dreg:$0x14];
	[sflag:s11] =	ssyncadd.s32 $0xFFFFC000  }
0x80: {  	[tilespmem:s14], [sflag:$0x3] =	stream.strided.gather [hbm4b:s1+s6], $0x4000, s10, s6, $0x38;
	[tilespmem:$0x1C080] =	vst v63  }
0x81: {  	_ =	swait.ge [sflag:s25], $0x4000  }
0x82: {  	[sflag:s25] =	ssyncset.done $0x0  }
0x83: {  	s1 =	rddreg [dreg:$0x15];
	[sflag:s25] =	ssyncadd.s32 $0xFFFFC000  }
0x84: {  	[hbm4b:s1+s6] =	stream.strided.scatter [tilespmem:s23], [sflag:$0xE], $0x4000, s10, s6, $0x38;
	[tilespmem:$0x1C080] =	vst v63  }
0x85: {  	_ =	swait.ge [sflag:s8], $0x4000  }
0x86: {  	[sflag:s8] =	ssyncset.done $0x0  }
0x87: {  	s1 =	rddreg [dreg:$0x16];
	[sflag:s8] =	ssyncadd.s32 $0xFFFFC000  }
0x88: {  	[tilespmem:s13], [sflag:$0x4] =	stream.strided.gather [hbm4b:s1+s6], $0x4000, s10, s6, $0x38;
	[tilespmem:$0x1C080] =	vst v63  }
0x89: {  	_ =	swait.ge [sflag:s22], $0x4000  }
0x8a: {  	[sflag:s22] =	ssyncset.done $0x0  }
0x8b: {  	s1 =	rddreg [dreg:$0x17];
	[sflag:s22] =	ssyncadd.s32 $0xFFFFC000  }
0x8c: {  	[hbm4b:s1+s6] =	stream.strided.scatter [tilespmem:s2], [sflag:$0x8], $0x4000, s10, s6, $0x38;
	[tilespmem:$0x1C080] =	vst v63  }
0x8d: {  	_ =	swait.ge [sflag:s21], $0x4000  }
0x8e: {  	[sflag:s21] =	ssyncset.done $0x0  }
0x8f: {  	s1 =	rddreg [dreg:$0x18];
	[sflag:s21] =	ssyncadd.s32 $0xFFFFC000  }
0x90: {  	[tilespmem:s26], [sflag:$0x5] =	stream.strided.gather [hbm4b:s1+s6], $0x4000, s10, s6, $0x38;
	[tilespmem:$0x1C080] =	vst v63  }
0x91: {  	_ =	swait.ge [sflag:s19], $0x4000  }
0x92: {  	[sflag:s19] =	ssyncset.done $0x0  }
0x93: {  	s1 =	rddreg [dreg:$0x19];
	[sflag:s19] =	ssyncadd.s32 $0xFFFFC000  }
0x94: {  	[hbm4b:s1+s6] =	stream.strided.scatter [tilespmem:s15], [sflag:$0x9], $0x4000, s10, s6, $0x38;
	[tilespmem:$0x1C080] =	vst v63  }
0x95: {  	_ =	swait.ge [sflag:s20], $0x4000  }
0x96: {  	[sflag:s20] =	ssyncset.done $0x0  }
0x97: {  	s1 =	rddreg [dreg:$0x1a];
	[sflag:s20] =	ssyncadd.s32 $0xFFFFC000  }
0x98: {  	[tilespmem:s24], [sflag:$0x6] =	stream.strided.gather [hbm4b:s1+s6], $0x4000, s10, s6, $0x38;
	[tilespmem:$0x1C080] =	vst v63  }
0x99: {  	_ =	swait.ge [sflag:s17], $0x4000  }
0x9a: {  	[sflag:s17] =	ssyncset.done $0x0  }
0x9b: {  	s1 =	rddreg [dreg:$0x1b];
	[sflag:s17] =	ssyncadd.s32 $0xFFFFC000  }
0x9c: {  	[hbm4b:s1+s6] =	stream.strided.scatter [tilespmem:s14], [sflag:$0xA], $0x4000, s10, s6, $0x38;
	[tilespmem:$0x1C080] =	vst v63  }
0x9d: {  	_ =	swait.ge [sflag:s18], $0x4000  }
0x9e: {  	[sflag:s18] =	ssyncset.done $0x0  }
0x9f: {  	s1 =	rddreg [dreg:$0x1c];
	[sflag:s18] =	ssyncadd.s32 $0xFFFFC000  }
0xa0: {  	[tilespmem:s23], [sflag:$0x7] =	stream.strided.gather [hbm4b:s1+s6], $0x4000, s10, s6, $0x38;
	[tilespmem:$0x1C080] =	vst v63  }
0xa1: {  	_ =	swait.ge [sflag:s16], $0x4000  }
0xa2: {  	[sflag:s16] =	ssyncset.done $0x0  }
0xa3: {  	s1 =	rddreg [dreg:$0x1d];
	[sflag:s16] =	ssyncadd.s32 $0xFFFFC000  }
0xa4: {  	[hbm4b:s1+s6] =	stream.strided.scatter [tilespmem:s13], [sflag:$0xB], $0x4000, s10, s6, $0x38;
	[tilespmem:$0x1C080] =	vst v63  }
0xa5: {  	_ =	swait.ge [sflag:s7], $0x4000  }
0xa6: {  	[sflag:s7] =	ssyncset.done $0x0  }
0xa7: {  	s1 =	rddreg [dreg:$0x1e];
	[sflag:s7] =	ssyncadd.s32 $0xFFFFC000  }
0xa8: {  	[tilespmem:s2], [sflag:$0x1] =	stream.strided.gather [hbm4b:s1+s6], $0x4000, s10, s6, $0x38;
	[tilespmem:$0x1C080] =	vst v63  }
0xa9: {  	_ =	swait.ge [sflag:s29], $0x4000  }
0xaa: {  	[sflag:s29] =	ssyncset.done $0x0  }
0xab: {  	s1 =	rddreg [dreg:$0x1f];
	[sflag:s29] =	ssyncadd.s32 $0xFFFFC000  }
0xac: {  	[hbm4b:s1+s6] =	stream.strided.scatter [tilespmem:s26], [sflag:$0xC], $0x4000, s10, s6, $0x38;
	[tilespmem:$0x1C080] =	vst v63  }
0xad: {  	_ =	swait.ge [sflag:s5], $0x4000  }
0xae: {  	s1 =	sld [smem:$0x7DD]  }
0xaf: {  	[sflag:s5] =	ssyncset.done $0x0  }
0xb0: {  	[sflag:s5] =	ssyncadd.s32 $0xFFFFC000  }
0xb1: {  	[tilespmem:s15], [sflag:$0x2] =	stream.strided.gather [hbm4b:s1+s6], $0x4000, s10, s6, $0x38;
	[tilespmem:$0x1C080] =	vst v63  }
0xb2: {  	_ =	swait.ge [sflag:s28], $0x4000  }
0xb3: {  	s1 =	sld [smem:$0x7DE]  }
0xb4: {  	[sflag:s28] =	ssyncset.done $0x0  }
0xb5: {  	[sflag:s28] =	ssyncadd.s32 $0xFFFFC000  }
0xb6: {  	[hbm4b:s1+s6] =	stream.strided.scatter [tilespmem:s24], [sflag:$0xD], $0x4000, s10, s6, $0x38;
	[tilespmem:$0x1C080] =	vst v63  }
0xb7: {  	_ =	swait.ge [sflag:s11], $0x4000  }
0xb8: {  	s1 =	sld [smem:$0x7DF]  }
0xb9: {  	[sflag:s11] =	ssyncset.done $0x0  }
0xba: {  	[sflag:s11] =	ssyncadd.s32 $0xFFFFC000  }
0xbb: {  	[tilespmem:s14], [sflag:$0x3] =	stream.strided.gather [hbm4b:s1+s6], $0x4000, s10, s6, $0x38;
	[tilespmem:$0x1C080] =	vst v63  }
0xbc: {  	_ =	swait.ge [sflag:s25], $0x4000  }
0xbd: {  	s1 =	sld [smem:$0x7E0]  }
0xbe: {  	[sflag:s25] =	ssyncset.done $0x0  }
0xbf: {  	[sflag:s25] =	ssyncadd.s32 $0xFFFFC000  }
0xc0: {  	[hbm4b:s1+s6] =	stream.strided.scatter [tilespmem:s23], [sflag:$0xE], $0x4000, s10, s6, $0x38;
	[tilespmem:$0x1C080] =	vst v63  }
0xc1: {  	_ =	swait.ge [sflag:s8], $0x4000  }
0xc2: {  	s1 =	sld [smem:$0x7E1]  }
0xc3: {  	[sflag:s8] =	ssyncset.done $0x0  }
0xc4: {  	[sflag:s8] =	ssyncadd.s32 $0xFFFFC000  }
0xc5: {  	[tilespmem:s13], [sflag:$0x4] =	stream.strided.gather [hbm4b:s1+s6], $0x4000, s10, s6, $0x38;
	[tilespmem:$0x1C080] =	vst v63  }
0xc6: {  	_ =	swait.ge [sflag:s22], $0x4000  }
0xc7: {  	s1 =	sld [smem:$0x7E2]  }
0xc8: {  	[sflag:s22] =	ssyncset.done $0x0  }
0xc9: {  	[sflag:s22] =	ssyncadd.s32 $0xFFFFC000  }
0xca: {  	[hbm4b:s1+s6] =	stream.strided.scatter [tilespmem:s2], [sflag:$0x8], $0x4000, s10, s6, $0x38;
	[tilespmem:$0x1C080] =	vst v63  }
0xcb: {  	_ =	swait.ge [sflag:s21], $0x4000  }
0xcc: {  	s1 =	sld [smem:$0x7E3]  }
0xcd: {  	[sflag:s21] =	ssyncset.done $0x0  }
0xce: {  	[sflag:s21] =	ssyncadd.s32 $0xFFFFC000  }
0xcf: {  	[tilespmem:s26], [sflag:$0x5] =	stream.strided.gather [hbm4b:s1+s6], $0x4000, s10, s6, $0x38;
	[tilespmem:$0x1C080] =	vst v63  }
0xd0: {  	_ =	swait.ge [sflag:s19], $0x4000  }
0xd1: {  	s1 =	sld [smem:$0x7E4]  }
0xd2: {  	[sflag:s19] =	ssyncset.done $0x0  }
0xd3: {  	[sflag:s19] =	ssyncadd.s32 $0xFFFFC000  }
0xd4: {  	[hbm4b:s1+s6] =	stream.strided.scatter [tilespmem:s15], [sflag:$0x9], $0x4000, s10, s6, $0x38;
	[tilespmem:$0x1C080] =	vst v63  }
0xd5: {  	_ =	swait.ge [sflag:s20], $0x4000  }
0xd6: {  	s1 =	sld [smem:$0x7E5]  }
0xd7: {  	[sflag:s20] =	ssyncset.done $0x0  }
0xd8: {  	[sflag:s20] =	ssyncadd.s32 $0xFFFFC000  }
0xd9: {  	[tilespmem:s24], [sflag:$0x6] =	stream.strided.gather [hbm4b:s1+s6], $0x4000, s10, s6, $0x38;
	[tilespmem:$0x1C080] =	vst v63  }
0xda: {  	_ =	swait.ge [sflag:s17], $0x4000  }
0xdb: {  	s1 =	sld [smem:$0x7E6]  }
0xdc: {  	[sflag:s17] =	ssyncset.done $0x0  }
0xdd: {  	[sflag:s17] =	ssyncadd.s32 $0xFFFFC000  }
0xde: {  	[hbm4b:s1+s6] =	stream.strided.scatter [tilespmem:s14], [sflag:$0xA], $0x4000, s10, s6, $0x38;
	[tilespmem:$0x1C080] =	vst v63  }
0xdf: {  	_ =	swait.ge [sflag:s18], $0x4000  }
0xe0: {  	s1 =	sld [smem:$0x7E7]  }
0xe1: {  	[sflag:s18] =	ssyncset.done $0x0  }
0xe2: {  	[sflag:s18] =	ssyncadd.s32 $0xFFFFC000  }
0xe3: {  	[tilespmem:s23], [sflag:$0x7] =	stream.strided.gather [hbm4b:s1+s6], $0x4000, s10, s6, $0x38;
	[tilespmem:$0x1C080] =	vst v63  }
0xe4: {  	_ =	swait.ge [sflag:s16], $0x4000  }
0xe5: {  	s1 =	sld [smem:$0x7E8]  }
0xe6: {  	[sflag:s16] =	ssyncset.done $0x0  }
0xe7: {  	[sflag:s16] =	ssyncadd.s32 $0xFFFFC000  }
0xe8: {  	[hbm4b:s1+s6] =	stream.strided.scatter [tilespmem:s13], [sflag:$0xB], $0x4000, s10, s6, $0x38;
	[tilespmem:$0x1C080] =	vst v63  }
0xe9: {  	_ =	swait.ge [sflag:s7], $0x4000  }
0xea: {  	s1 =	sld [smem:$0x7E9]  }
0xeb: {  	[sflag:s7] =	ssyncset.done $0x0  }
0xec: {  	[sflag:s7] =	ssyncadd.s32 $0xFFFFC000  }
0xed: {  	[tilespmem:s2], [sflag:$0x1] =	stream.strided.gather [hbm4b:s1+s6], $0x4000, s10, s6, $0x38;
	[tilespmem:$0x1C080] =	vst v63  }
0xee: {  	_ =	swait.ge [sflag:s29], $0x4000  }
0xef: {  	s1 =	sld [smem:$0x7EA]  }
0xf0: {  	[sflag:s29] =	ssyncset.done $0x0  }
0xf1: {  	[sflag:s29] =	ssyncadd.s32 $0xFFFFC000  }
0xf2: {  	[hbm4b:s1+s6] =	stream.strided.scatter [tilespmem:s26], [sflag:$0xC], $0x4000, s10, s6, $0x38;
	[tilespmem:$0x1C080] =	vst v63  }
0xf3: {  	_ =	swait.ge [sflag:s5], $0x4000  }
0xf4: {  	s1 =	sld [smem:$0x7EB]  }
0xf5: {  	[sflag:s5] =	ssyncset.done $0x0  }
0xf6: {  	[sflag:s5] =	ssyncadd.s32 $0xFFFFC000  }
0xf7: {  	[tilespmem:s15], [sflag:$0x2] =	stream.strided.gather [hbm4b:s1+s6], $0x4000, s10, s6, $0x38;
	[tilespmem:$0x1C080] =	vst v63  }
0xf8: {  	_ =	swait.ge [sflag:s28], $0x4000  }
0xf9: {  	s1 =	sld [smem:$0x7EC]  }
0xfa: {  	[sflag:s28] =	ssyncset.done $0x0  }
0xfb: {  	[sflag:s28] =	ssyncadd.s32 $0xFFFFC000  }
0xfc: {  	[hbm4b:s1+s6] =	stream.strided.scatter [tilespmem:s24], [sflag:$0xD], $0x4000, s10, s6, $0x38;
	[tilespmem:$0x1C080] =	vst v63  }
0xfd: {  	_ =	swait.ge [sflag:s11], $0x4000  }
0xfe: {  	s1 =	sld [smem:$0x7ED]  }
0xff: {  	[sflag:s11] =	ssyncset.done $0x0  }
0x100: {  	[sflag:s11] =	ssyncadd.s32 $0xFFFFC000  }
0x101: {  	[tilespmem:s14], [sflag:$0x3] =	stream.strided.gather [hbm4b:s1+s6], $0x4000, s10, s6, $0x38;
	[tilespmem:$0x1C080] =	vst v63  }
0x102: {  	_ =	swait.ge [sflag:s25], $0x4000  }
0x103: {  	s1 =	sld [smem:$0x7EE]  }
0x104: {  	[sflag:s25] =	ssyncset.done $0x0  }
0x105: {  	[sflag:s25] =	ssyncadd.s32 $0xFFFFC000  }
0x106: {  	[hbm4b:s1+s6] =	stream.strided.scatter [tilespmem:s23], [sflag:$0xE], $0x4000, s10, s6, $0x38;
	[tilespmem:$0x1C080] =	vst v63  }
0x107: {  	_ =	swait.ge [sflag:s8], $0x4000  }
0x108: {  	s1 =	sld [smem:$0x7EF]  }
0x109: {  	[sflag:s8] =	ssyncset.done $0x0  }
0x10a: {  	[sflag:s8] =	ssyncadd.s32 $0xFFFFC000  }
0x10b: {  	[tilespmem:s13], [sflag:$0x4] =	stream.strided.gather [hbm4b:s1+s6], $0x4000, s10, s6, $0x38;
	[tilespmem:$0x1C080] =	vst v63  }
0x10c: {  	_ =	swait.ge [sflag:s22], $0x4000  }
0x10d: {  	s1 =	sld [smem:$0x7F0]  }
0x10e: {  	[sflag:s22] =	ssyncset.done $0x0  }
0x10f: {  	[sflag:s22] =	ssyncadd.s32 $0xFFFFC000  }
0x110: {  	[hbm4b:s1+s6] =	stream.strided.scatter [tilespmem:s2], [sflag:$0x8], $0x4000, s10, s6, $0x38;
	[tilespmem:$0x1C080] =	vst v63  }
0x111: {  	_ =	swait.ge [sflag:s21], $0x4000  }
0x112: {  	s1 =	sld [smem:$0x7F1]  }
0x113: {  	[sflag:s21] =	ssyncset.done $0x0  }
0x114: {  	[sflag:s21] =	ssyncadd.s32 $0xFFFFC000  }
0x115: {  	[tilespmem:s26], [sflag:$0x5] =	stream.strided.gather [hbm4b:s1+s6], $0x4000, s10, s6, $0x38;
	[tilespmem:$0x1C080] =	vst v63  }
0x116: {  	_ =	swait.ge [sflag:s19], $0x4000  }
0x117: {  	s1 =	sld [smem:$0x7F2]  }
0x118: {  	[sflag:s19] =	ssyncset.done $0x0  }
0x119: {  	[sflag:s19] =	ssyncadd.s32 $0xFFFFC000  }
0x11a: {  	[hbm4b:s1+s6] =	stream.strided.scatter [tilespmem:s15], [sflag:$0x9], $0x4000, s10, s6, $0x38;
	[tilespmem:$0x1C080] =	vst v63  }
0x11b: {  	_ =	swait.ge [sflag:s20], $0x4000  }
0x11c: {  	s1 =	sld [smem:$0x7F3]  }
0x11d: {  	[sflag:s20] =	ssyncset.done $0x0  }
0x11e: {  	[sflag:s20] =	ssyncadd.s32 $0xFFFFC000  }
0x11f: {  	[tilespmem:s24], [sflag:$0x6] =	stream.strided.gather [hbm4b:s1+s6], $0x4000, s10, s6, $0x38;
	[tilespmem:$0x1C080] =	vst v63  }
0x120: {  	_ =	swait.ge [sflag:s17], $0x4000  }
0x121: {  	s1 =	sld [smem:$0x7F4]  }
0x122: {  	[sflag:s17] =	ssyncset.done $0x0  }
0x123: {  	[sflag:s17] =	ssyncadd.s32 $0xFFFFC000  }
0x124: {  	[hbm4b:s1+s6] =	stream.strided.scatter [tilespmem:s14], [sflag:$0xA], $0x4000, s10, s6, $0x38;
	[tilespmem:$0x1C080] =	vst v63  }
0x125: {  	_ =	swait.ge [sflag:s18], $0x4000  }
0x126: {  	s1 =	sld [smem:$0x7F5]  }
0x127: {  	[sflag:s18] =	ssyncset.done $0x0  }
0x128: {  	[sflag:s18] =	ssyncadd.s32 $0xFFFFC000  }
0x129: {  	[tilespmem:s23], [sflag:$0x7] =	stream.strided.gather [hbm4b:s1+s6], $0x4000, s10, s6, $0x38;
	[tilespmem:$0x1C080] =	vst v63  }
0x12a: {  	_ =	swait.ge [sflag:s16], $0x4000  }
0x12b: {  	s1 =	sld [smem:$0x7F6]  }
0x12c: {  	[sflag:s16] =	ssyncset.done $0x0  }
0x12d: {  	[sflag:s16] =	ssyncadd.s32 $0xFFFFC000  }
0x12e: {  	[hbm4b:s1+s6] =	stream.strided.scatter [tilespmem:s13], [sflag:$0xB], $0x4000, s10, s6, $0x38;
	[tilespmem:$0x1C080] =	vst v63  }
0x12f: {  	_ =	swait.ge [sflag:s7], $0x4000  }
0x130: {  	s1 =	sld [smem:$0x7F7]  }
0x131: {  	[sflag:s7] =	ssyncset.done $0x0  }
0x132: {  	[sflag:s7] =	ssyncadd.s32 $0xFFFFC000  }
0x133: {  	[tilespmem:s2], [sflag:$0x1] =	stream.strided.gather [hbm4b:s1+s6], $0x4000, s10, s6, $0x38;
	[tilespmem:$0x1C080] =	vst v63  }
0x134: {  	_ =	swait.ge [sflag:s29], $0x4000  }
0x135: {  	s1 =	sld [smem:$0x7F8]  }
0x136: {  	[sflag:s29] =	ssyncset.done $0x0  }
0x137: {  	[sflag:s29] =	ssyncadd.s32 $0xFFFFC000  }
0x138: {  	[hbm4b:s1+s6] =	stream.strided.scatter [tilespmem:s26], [sflag:$0xC], $0x4000, s10, s6, $0x38;
	[tilespmem:$0x1C080] =	vst v63  }
0x139: {  	_ =	swait.ge [sflag:s5], $0x4000  }
0x13a: {  	s1 =	sld [smem:$0x7F9]  }
0x13b: {  	[sflag:s5] =	ssyncset.done $0x0  }
0x13c: {  	[sflag:s5] =	ssyncadd.s32 $0xFFFFC000  }
0x13d: {  	[tilespmem:s15], [sflag:$0x2] =	stream.strided.gather [hbm4b:s1+s6], $0x4000, s10, s6, $0x38;
	[tilespmem:$0x1C080] =	vst v63  }
0x13e: {  	_ =	swait.ge [sflag:s28], $0x4000  }
0x13f: {  	s1 =	sld [smem:$0x7FA]  }
0x140: {  	[sflag:s28] =	ssyncset.done $0x0  }
0x141: {  	[sflag:s28] =	ssyncadd.s32 $0xFFFFC000  }
0x142: {  	[hbm4b:s1+s6] =	stream.strided.scatter [tilespmem:s24], [sflag:$0xD], $0x4000, s10, s6, $0x38;
	[tilespmem:$0x1C080] =	vst v63  }
0x143: {  	_ =	swait.ge [sflag:s11], $0x4000  }
0x144: {  	s1 =	sld [smem:$0x7FB]  }
0x145: {  	[sflag:s11] =	ssyncset.done $0x0  }
0x146: {  	[sflag:s11] =	ssyncadd.s32 $0xFFFFC000  }
0x147: {  	[tilespmem:s14], [sflag:$0x3] =	stream.strided.gather [hbm4b:s1+s6], $0x4000, s10, s6, $0x38;
	[tilespmem:$0x1C080] =	vst v63  }
0x148: {  	_ =	swait.ge [sflag:s25], $0x4000  }
0x149: {  	s1 =	sld [smem:$0x7FC]  }
0x14a: {  	[sflag:s25] =	ssyncset.done $0x0  }
0x14b: {  	[sflag:s25] =	ssyncadd.s32 $0xFFFFC000  }
0x14c: {  	[hbm4b:s1+s6] =	stream.strided.scatter [tilespmem:s23], [sflag:$0xE], $0x4000, s10, s6, $0x38;
	[tilespmem:$0x1C080] =	vst v63  }
0x14d: {  	_ =	swait.ge [sflag:s8], $0x4000  }
0x14e: {  	s1 =	sld [smem:$0x7FD]  }
0x14f: {  	[sflag:s8] =	ssyncset.done $0x0  }
0x150: {  	[sflag:s8] =	ssyncadd.s32 $0xFFFFC000  }
0x151: {  	[tilespmem:s13], [sflag:$0x4] =	stream.strided.gather [hbm4b:s1+s6], $0x4000, s10, s6, $0x38;
	[tilespmem:$0x1C080] =	vst v63  }
0x152: {  	_ =	swait.ge [sflag:s22], $0x4000  }
0x153: {  	[sflag:s22] =	ssyncset.done $0x0  }
0x154: {  	[sflag:s22] =	ssyncadd.s32 $0xFFFFC000  }
0x155: {  	[hbm4b:s12+s6] =	stream.strided.scatter [tilespmem:s2], [sflag:$0x8], $0x4000, s10, s6, $0x38;
	[tilespmem:$0x1C080] =	vst v63  }
0x156: {  	_ =	swait.ge [sflag:s19], $0x4000  }
0x157: {  	[sflag:s19] =	ssyncset.done $0x0  }
0x158: {  	[sflag:s19] =	ssyncadd.s32 $0xFFFFC000  }
0x159: {  	[hbm4b:s9+s6] =	stream.strided.scatter [tilespmem:s15], [sflag:$0x9], $0x4000, s10, s6, $0x38;
	[tilespmem:$0x1C080] =	vst v63  }
0x15a: {  	_ =	swait.ge [sflag:s17], $0x4000  }
0x15b: {  	[sflag:s17] =	ssyncset.done $0x0  }
0x15c: {  	[sflag:s17] =	ssyncadd.s32 $0xFFFFC000  }
0x15d: {  	[hbm4b:s4+s6] =	stream.strided.scatter [tilespmem:s14], [sflag:$0xA], $0x4000, s10, s6, $0x38;
	[tilespmem:$0x1C080] =	vst v63  }
0x15e: {  	_ =	swait.ge [sflag:s16], $0x4000  }
0x15f: {  	[sflag:s16] =	ssyncset.done $0x0  }
0x160: {  	[sflag:s16] =	ssyncadd.s32 $0xFFFFC000  }
0x161: {  	[hbm4b:s3+s6] =	stream.strided.scatter [tilespmem:s13], [sflag:$0xB], $0x4000, s10, s6, $0x38;
	[tilespmem:$0x1C080] =	vst v63  }
0x162: {  	_ =	swait.ge [sflag:s21], $0x4000  }
0x163: {  	[sflag:s21] =	ssyncset.done $0x0  }
0x164: {  	[sflag:s21] =	ssyncadd.s32 $0xFFFFC000  }
0x165: {  	_ =	swait.ge [sflag:s20], $0x4000  }
0x166: {  	[sflag:s20] =	ssyncset.done $0x0  }
0x167: {  	[sflag:s20] =	ssyncadd.s32 $0xFFFFC000  }
0x168: {  	_ =	swait.ge [sflag:s18], $0x4000  }
0x169: {  	[sflag:s18] =	ssyncset.done $0x0  }
0x16a: {  	[sflag:s18] =	ssyncadd.s32 $0xFFFFC000  }
0x16b: {  	_ =	swait.ge [sflag:s7], $0x4000  }
0x16c: {  	[sflag:s7] =	ssyncset.done $0x0  }
0x16d: {  	[sflag:s7] =	ssyncadd.s32 $0xFFFFC000  }
0x16e: {  	s1 =	sadd.s32 $0xFFFFFFFF, s31;
	_ =	swait.ge [sflag:s5], $0x4000  }
0x16f: {  	p2 =	sne.s32 s1, $0x0;
	[sflag:s5] =	ssyncset.done $0x0  }
.Ltmp1:
0x170: {  	[sflag:s5] =	ssyncadd.s32 $0xFFFFC000;
	(pc) =	sbr.rel @!p2 .LBB2_2-.Ltmp1, $4  }
0x171: {  	_ =	swait.ge [sflag:s11], $0x4000  }
0x172: {  	[sflag:s11] =	ssyncset.done $0x0  }
0x173: {  	[sflag:s11] =	ssyncadd.s32 $0xFFFFC000  }
0x174: {  	p1 =	por $0x1, $0x1;
	_ =	swait.ge [sflag:s8], $0x4000  }
.LBB2_3:
0x175: {  	[sflag:s8] =	ssyncset.done $0x0  }
0x176: {  	s0 =	rddreg [dreg:$0x4];
	s31 =	simm.s32 $0x1C000;
	[sflag:s8] =	ssyncadd.s32 $0xFFFFC000  }
0x177: {  	[tilespmem:s31], [sflag:$0xF] =	stream.linear.gather [hbm4b:s0+s2], $0x1, $0x38;
	[tilespmem:$0x1C080] =	vst v63  }
0x178: {  	_ =	swait.ge [sflag:s30], $0x1  }
0x179: {  	[sflag:s30] =	ssyncset.done $0x0  }
0x17a: {  	s0 =	rddreg [dreg:$0x5];
	[sflag:s30] =	ssyncadd.s32 $0xFFFFFFFF  }
0x17b: {  	[tilespmem:s2], [sflag:$0x1] =	stream.strided.gather [hbm4b:s0+s6], $0x4000, s10, s6, $0x38;
	[tilespmem:$0x1C080] =	vst v63  }
0x17c: {  	s31 =	rddreg [dreg:$0x6]  }
0x17d: {  	[tilespmem:s15], [sflag:$0x2] =	stream.strided.gather [hbm4b:s31+s6], $0x4000, s10, s6, $0x38;
	[tilespmem:$0x1C080] =	vst v63  }
0x17e: {  	s0 =	rddreg [dreg:$0x7]  }
0x17f: {  	[tilespmem:s14], [sflag:$0x3] =	stream.strided.gather [hbm4b:s0+s6], $0x4000, s10, s6, $0x38;
	[tilespmem:$0x1C080] =	vst v63  }
0x180: {  	s31 =	rddreg [dreg:$0x8]  }
0x181: {  	[tilespmem:s13], [sflag:$0x4] =	stream.strided.gather [hbm4b:s31+s6], $0x4000, s10, s6, $0x38;
	[tilespmem:$0x1C080] =	vst v63  }
0x182: {  	s0 =	rddreg [dreg:$0x9]  }
0x183: {  	[tilespmem:s26], [sflag:$0x5] =	stream.strided.gather [hbm4b:s0+s6], $0x4000, s10, s6, $0x38;
	[tilespmem:$0x1C080] =	vst v63  }
0x184: {  	s31 =	rddreg [dreg:$0xa]  }
0x185: {  	[tilespmem:s24], [sflag:$0x6] =	stream.strided.gather [hbm4b:s31+s6], $0x4000, s10, s6, $0x38;
	[tilespmem:$0x1C080] =	vst v63  }
0x186: {  	s0 =	rddreg [dreg:$0xb]  }
0x187: {  	[tilespmem:s23], [sflag:$0x7] =	stream.strided.gather [hbm4b:s0+s6], $0x4000, s10, s6, $0x38;
	[tilespmem:$0x1C080] =	vst v63  }
0x188: {  	_ =	swait.ge [sflag:s22], $0x4000  }
0x189: {  	[sflag:s22] =	ssyncset.done $0x0  }
0x18a: {  	[sflag:s22] =	ssyncadd.s32 $0xFFFFC000  }
0x18b: {  	v0 =	vld @!p0 [tilespmem:$0x2000]  }
0x18c: {  	v1 =	vld @!p0 [tilespmem:$0x1C000];
	_ =	sdelay $0x4  }
0x18d: {  	v0 =	vsel @!p0 vm0, v1, v0  }
0x18e: {  	s31 =	rddreg [dreg:$0xc];
	[tilespmem:$0x2000] =	vst @!p0 v0  }
0x18f: {  	[hbm4b:s31+s6] =	stream.strided.scatter [tilespmem:s2], [sflag:$0x8], $0x4000, s10, s6, $0x38;
	[tilespmem:$0x1C080] =	vst v63  }
0x190: {  	_ =	swait.ge [sflag:s19], $0x4000  }
0x191: {  	[sflag:s19] =	ssyncset.done $0x0  }
0x192: {  	s31 =	rddreg [dreg:$0xd];
	[sflag:s19] =	ssyncadd.s32 $0xFFFFC000  }
0x193: {  	[hbm4b:s31+s6] =	stream.strided.scatter [tilespmem:s15], [sflag:$0x9], $0x4000, s10, s6, $0x38;
	[tilespmem:$0x1C080] =	vst v63  }
0x194: {  	_ =	swait.ge [sflag:s17], $0x4000  }
0x195: {  	[sflag:s17] =	ssyncset.done $0x0  }
0x196: {  	s31 =	rddreg [dreg:$0xe];
	[sflag:s17] =	ssyncadd.s32 $0xFFFFC000  }
0x197: {  	[hbm4b:s31+s6] =	stream.strided.scatter [tilespmem:s14], [sflag:$0xA], $0x4000, s10, s6, $0x38;
	[tilespmem:$0x1C080] =	vst v63  }
0x198: {  	_ =	swait.ge [sflag:s16], $0x4000  }
0x199: {  	[sflag:s16] =	ssyncset.done $0x0  }
0x19a: {  	s31 =	rddreg [dreg:$0xf];
	[sflag:s16] =	ssyncadd.s32 $0xFFFFC000  }
0x19b: {  	[hbm4b:s31+s6] =	stream.strided.scatter [tilespmem:s13], [sflag:$0xB], $0x4000, s10, s6, $0x38;
	[tilespmem:$0x1C080] =	vst v63  }
0x19c: {  	_ =	swait.ge [sflag:s7], $0x4000  }
0x19d: {  	[sflag:s7] =	ssyncset.done $0x0  }
0x19e: {  	s31 =	rddreg [dreg:$0x10];
	[sflag:s7] =	ssyncadd.s32 $0xFFFFC000  }
0x19f: {  	[tilespmem:s2], [sflag:$0x1] =	stream.strided.gather [hbm4b:s31+s6], $0x4000, s10, s6, $0x38;
	[tilespmem:$0x1C080] =	vst v63  }
0x1a0: {  	_ =	swait.ge [sflag:s29], $0x4000  }
0x1a1: {  	[sflag:s29] =	ssyncset.done $0x0  }
0x1a2: {  	s31 =	rddreg [dreg:$0x11];
	[sflag:s29] =	ssyncadd.s32 $0xFFFFC000  }
0x1a3: {  	[hbm4b:s31+s6] =	stream.strided.scatter [tilespmem:s26], [sflag:$0xC], $0x4000, s10, s6, $0x38;
	[tilespmem:$0x1C080] =	vst v63  }
0x1a4: {  	_ =	swait.ge [sflag:s5], $0x4000  }
0x1a5: {  	[sflag:s5] =	ssyncset.done $0x0  }
0x1a6: {  	s31 =	rddreg [dreg:$0x12];
	[sflag:s5] =	ssyncadd.s32 $0xFFFFC000  }
0x1a7: {  	[tilespmem:s15], [sflag:$0x2] =	stream.strided.gather [hbm4b:s31+s6], $0x4000, s10, s6, $0x38;
	[tilespmem:$0x1C080] =	vst v63  }
0x1a8: {  	_ =	swait.ge [sflag:s28], $0x4000  }
0x1a9: {  	[sflag:s28] =	ssyncset.done $0x0  }
0x1aa: {  	s31 =	rddreg [dreg:$0x13];
	[sflag:s28] =	ssyncadd.s32 $0xFFFFC000  }
0x1ab: {  	[hbm4b:s31+s6] =	stream.strided.scatter [tilespmem:s24], [sflag:$0xD], $0x4000, s10, s6, $0x38;
	[tilespmem:$0x1C080] =	vst v63  }
0x1ac: {  	_ =	swait.ge [sflag:s11], $0x4000  }
0x1ad: {  	[sflag:s11] =	ssyncset.done $0x0  }
0x1ae: {  	s31 =	rddreg [dreg:$0x14];
	[sflag:s11] =	ssyncadd.s32 $0xFFFFC000  }
0x1af: {  	[tilespmem:s14], [sflag:$0x3] =	stream.strided.gather [hbm4b:s31+s6], $0x4000, s10, s6, $0x38;
	[tilespmem:$0x1C080] =	vst v63  }
0x1b0: {  	_ =	swait.ge [sflag:s25], $0x4000  }
0x1b1: {  	[sflag:s25] =	ssyncset.done $0x0  }
0x1b2: {  	s31 =	rddreg [dreg:$0x15];
	[sflag:s25] =	ssyncadd.s32 $0xFFFFC000  }
0x1b3: {  	[hbm4b:s31+s6] =	stream.strided.scatter [tilespmem:s23], [sflag:$0xE], $0x4000, s10, s6, $0x38;
	[tilespmem:$0x1C080] =	vst v63  }
0x1b4: {  	_ =	swait.ge [sflag:s8], $0x4000  }
0x1b5: {  	[sflag:s8] =	ssyncset.done $0x0  }
0x1b6: {  	s31 =	rddreg [dreg:$0x16];
	[sflag:s8] =	ssyncadd.s32 $0xFFFFC000  }
0x1b7: {  	[tilespmem:s13], [sflag:$0x4] =	stream.strided.gather [hbm4b:s31+s6], $0x4000, s10, s6, $0x38;
	[tilespmem:$0x1C080] =	vst v63  }
0x1b8: {  	_ =	swait.ge [sflag:s22], $0x4000  }
0x1b9: {  	[sflag:s22] =	ssyncset.done $0x0  }
0x1ba: {  	s31 =	rddreg [dreg:$0x17];
	[sflag:s22] =	ssyncadd.s32 $0xFFFFC000  }
0x1bb: {  	[hbm4b:s31+s6] =	stream.strided.scatter [tilespmem:s2], [sflag:$0x8], $0x4000, s10, s6, $0x38;
	[tilespmem:$0x1C080] =	vst v63  }
0x1bc: {  	_ =	swait.ge [sflag:s21], $0x4000  }
0x1bd: {  	[sflag:s21] =	ssyncset.done $0x0  }
0x1be: {  	s31 =	rddreg [dreg:$0x18];
	[sflag:s21] =	ssyncadd.s32 $0xFFFFC000  }
0x1bf: {  	[tilespmem:s26], [sflag:$0x5] =	stream.strided.gather [hbm4b:s31+s6], $0x4000, s10, s6, $0x38;
	[tilespmem:$0x1C080] =	vst v63  }
0x1c0: {  	_ =	swait.ge [sflag:s19], $0x4000  }
0x1c1: {  	[sflag:s19] =	ssyncset.done $0x0  }
0x1c2: {  	s31 =	rddreg [dreg:$0x19];
	[sflag:s19] =	ssyncadd.s32 $0xFFFFC000  }
0x1c3: {  	[hbm4b:s31+s6] =	stream.strided.scatter [tilespmem:s15], [sflag:$0x9], $0x4000, s10, s6, $0x38;
	[tilespmem:$0x1C080] =	vst v63  }
0x1c4: {  	_ =	swait.ge [sflag:s20], $0x4000  }
0x1c5: {  	[sflag:s20] =	ssyncset.done $0x0  }
0x1c6: {  	s31 =	rddreg [dreg:$0x1a];
	[sflag:s20] =	ssyncadd.s32 $0xFFFFC000  }
0x1c7: {  	[tilespmem:s24], [sflag:$0x6] =	stream.strided.gather [hbm4b:s31+s6], $0x4000, s10, s6, $0x38;
	[tilespmem:$0x1C080] =	vst v63  }
0x1c8: {  	_ =	swait.ge [sflag:s17], $0x4000  }
0x1c9: {  	[sflag:s17] =	ssyncset.done $0x0  }
0x1ca: {  	s31 =	rddreg [dreg:$0x1b];
	[sflag:s17] =	ssyncadd.s32 $0xFFFFC000  }
0x1cb: {  	[hbm4b:s31+s6] =	stream.strided.scatter [tilespmem:s14], [sflag:$0xA], $0x4000, s10, s6, $0x38;
	[tilespmem:$0x1C080] =	vst v63  }
0x1cc: {  	_ =	swait.ge [sflag:s18], $0x4000  }
0x1cd: {  	[sflag:s18] =	ssyncset.done $0x0  }
0x1ce: {  	s31 =	rddreg [dreg:$0x1c];
	[sflag:s18] =	ssyncadd.s32 $0xFFFFC000  }
0x1cf: {  	[tilespmem:s23], [sflag:$0x7] =	stream.strided.gather [hbm4b:s31+s6], $0x4000, s10, s6, $0x38;
	[tilespmem:$0x1C080] =	vst v63  }
0x1d0: {  	_ =	swait.ge [sflag:s16], $0x4000  }
0x1d1: {  	[sflag:s16] =	ssyncset.done $0x0  }
0x1d2: {  	s31 =	rddreg [dreg:$0x1d];
	[sflag:s16] =	ssyncadd.s32 $0xFFFFC000  }
0x1d3: {  	[hbm4b:s31+s6] =	stream.strided.scatter [tilespmem:s13], [sflag:$0xB], $0x4000, s10, s6, $0x38;
	[tilespmem:$0x1C080] =	vst v63  }
0x1d4: {  	_ =	swait.ge [sflag:s7], $0x4000  }
0x1d5: {  	[sflag:s7] =	ssyncset.done $0x0  }
0x1d6: {  	s31 =	rddreg [dreg:$0x1e];
	[sflag:s7] =	ssyncadd.s32 $0xFFFFC000  }
0x1d7: {  	[tilespmem:s2], [sflag:$0x1] =	stream.strided.gather [hbm4b:s31+s6], $0x4000, s10, s6, $0x38;
	[tilespmem:$0x1C080] =	vst v63  }
0x1d8: {  	_ =	swait.ge [sflag:s29], $0x4000  }
0x1d9: {  	[sflag:s29] =	ssyncset.done $0x0  }
0x1da: {  	s31 =	rddreg [dreg:$0x1f];
	[sflag:s29] =	ssyncadd.s32 $0xFFFFC000  }
0x1db: {  	[hbm4b:s31+s6] =	stream.strided.scatter [tilespmem:s26], [sflag:$0xC], $0x4000, s10, s6, $0x38;
	[tilespmem:$0x1C080] =	vst v63  }
0x1dc: {  	_ =	swait.ge [sflag:s5], $0x4000  }
0x1dd: {  	s31 =	sld [smem:$0x7DD]  }
0x1de: {  	[sflag:s5] =	ssyncset.done $0x0  }
0x1df: {  	[sflag:s5] =	ssyncadd.s32 $0xFFFFC000  }
0x1e0: {  	[tilespmem:s15], [sflag:$0x2] =	stream.strided.gather [hbm4b:s31+s6], $0x4000, s10, s6, $0x38;
	[tilespmem:$0x1C080] =	vst v63  }
0x1e1: {  	_ =	swait.ge [sflag:s28], $0x4000  }
0x1e2: {  	s31 =	sld [smem:$0x7DE]  }
0x1e3: {  	[sflag:s28] =	ssyncset.done $0x0  }
0x1e4: {  	[sflag:s28] =	ssyncadd.s32 $0xFFFFC000  }
0x1e5: {  	[hbm4b:s31+s6] =	stream.strided.scatter [tilespmem:s24], [sflag:$0xD], $0x4000, s10, s6, $0x38;
	[tilespmem:$0x1C080] =	vst v63  }
0x1e6: {  	_ =	swait.ge [sflag:s11], $0x4000  }
0x1e7: {  	s31 =	sld [smem:$0x7DF]  }
0x1e8: {  	[sflag:s11] =	ssyncset.done $0x0  }
0x1e9: {  	[sflag:s11] =	ssyncadd.s32 $0xFFFFC000  }
0x1ea: {  	[tilespmem:s14], [sflag:$0x3] =	stream.strided.gather [hbm4b:s31+s6], $0x4000, s10, s6, $0x38;
	[tilespmem:$0x1C080] =	vst v63  }
0x1eb: {  	_ =	swait.ge [sflag:s25], $0x4000  }
0x1ec: {  	s31 =	sld [smem:$0x7E0]  }
0x1ed: {  	[sflag:s25] =	ssyncset.done $0x0  }
0x1ee: {  	[sflag:s25] =	ssyncadd.s32 $0xFFFFC000  }
0x1ef: {  	[hbm4b:s31+s6] =	stream.strided.scatter [tilespmem:s23], [sflag:$0xE], $0x4000, s10, s6, $0x38;
	[tilespmem:$0x1C080] =	vst v63  }
0x1f0: {  	_ =	swait.ge [sflag:s8], $0x4000  }
0x1f1: {  	s31 =	sld [smem:$0x7E1]  }
0x1f2: {  	[sflag:s8] =	ssyncset.done $0x0  }
0x1f3: {  	[sflag:s8] =	ssyncadd.s32 $0xFFFFC000  }
0x1f4: {  	[tilespmem:s13], [sflag:$0x4] =	stream.strided.gather [hbm4b:s31+s6], $0x4000, s10, s6, $0x38;
	[tilespmem:$0x1C080] =	vst v63  }
0x1f5: {  	_ =	swait.ge [sflag:s22], $0x4000  }
0x1f6: {  	s31 =	sld [smem:$0x7E2]  }
0x1f7: {  	[sflag:s22] =	ssyncset.done $0x0  }
0x1f8: {  	[sflag:s22] =	ssyncadd.s32 $0xFFFFC000  }
0x1f9: {  	[hbm4b:s31+s6] =	stream.strided.scatter [tilespmem:s2], [sflag:$0x8], $0x4000, s10, s6, $0x38;
	[tilespmem:$0x1C080] =	vst v63  }
0x1fa: {  	_ =	swait.ge [sflag:s21], $0x4000  }
0x1fb: {  	s31 =	sld [smem:$0x7E3]  }
0x1fc: {  	[sflag:s21] =	ssyncset.done $0x0  }
0x1fd: {  	[sflag:s21] =	ssyncadd.s32 $0xFFFFC000  }
0x1fe: {  	[tilespmem:s26], [sflag:$0x5] =	stream.strided.gather [hbm4b:s31+s6], $0x4000, s10, s6, $0x38;
	[tilespmem:$0x1C080] =	vst v63  }
0x1ff: {  	_ =	swait.ge [sflag:s19], $0x4000  }
0x200: {  	s31 =	sld [smem:$0x7E4]  }
0x201: {  	[sflag:s19] =	ssyncset.done $0x0  }
0x202: {  	[sflag:s19] =	ssyncadd.s32 $0xFFFFC000  }
0x203: {  	[hbm4b:s31+s6] =	stream.strided.scatter [tilespmem:s15], [sflag:$0x9], $0x4000, s10, s6, $0x38;
	[tilespmem:$0x1C080] =	vst v63  }
0x204: {  	_ =	swait.ge [sflag:s20], $0x4000  }
0x205: {  	s31 =	sld [smem:$0x7E5]  }
0x206: {  	[sflag:s20] =	ssyncset.done $0x0  }
0x207: {  	[sflag:s20] =	ssyncadd.s32 $0xFFFFC000  }
0x208: {  	[tilespmem:s24], [sflag:$0x6] =	stream.strided.gather [hbm4b:s31+s6], $0x4000, s10, s6, $0x38;
	[tilespmem:$0x1C080] =	vst v63  }
0x209: {  	_ =	swait.ge [sflag:s17], $0x4000  }
0x20a: {  	s31 =	sld [smem:$0x7E6]  }
0x20b: {  	[sflag:s17] =	ssyncset.done $0x0  }
0x20c: {  	[sflag:s17] =	ssyncadd.s32 $0xFFFFC000  }
0x20d: {  	[hbm4b:s31+s6] =	stream.strided.scatter [tilespmem:s14], [sflag:$0xA], $0x4000, s10, s6, $0x38;
	[tilespmem:$0x1C080] =	vst v63  }
0x20e: {  	_ =	swait.ge [sflag:s18], $0x4000  }
0x20f: {  	s31 =	sld [smem:$0x7E7]  }
0x210: {  	[sflag:s18] =	ssyncset.done $0x0  }
0x211: {  	[sflag:s18] =	ssyncadd.s32 $0xFFFFC000  }
0x212: {  	[tilespmem:s23], [sflag:$0x7] =	stream.strided.gather [hbm4b:s31+s6], $0x4000, s10, s6, $0x38;
	[tilespmem:$0x1C080] =	vst v63  }
0x213: {  	_ =	swait.ge [sflag:s16], $0x4000  }
0x214: {  	s31 =	sld [smem:$0x7E8]  }
0x215: {  	[sflag:s16] =	ssyncset.done $0x0  }
0x216: {  	[sflag:s16] =	ssyncadd.s32 $0xFFFFC000  }
0x217: {  	[hbm4b:s31+s6] =	stream.strided.scatter [tilespmem:s13], [sflag:$0xB], $0x4000, s10, s6, $0x38;
	[tilespmem:$0x1C080] =	vst v63  }
0x218: {  	_ =	swait.ge [sflag:s7], $0x4000  }
0x219: {  	s31 =	sld [smem:$0x7E9]  }
0x21a: {  	[sflag:s7] =	ssyncset.done $0x0  }
0x21b: {  	[sflag:s7] =	ssyncadd.s32 $0xFFFFC000  }
0x21c: {  	[tilespmem:s2], [sflag:$0x1] =	stream.strided.gather [hbm4b:s31+s6], $0x4000, s10, s6, $0x38;
	[tilespmem:$0x1C080] =	vst v63  }
0x21d: {  	_ =	swait.ge [sflag:s29], $0x4000  }
0x21e: {  	s31 =	sld [smem:$0x7EA]  }
0x21f: {  	[sflag:s29] =	ssyncset.done $0x0  }
0x220: {  	[sflag:s29] =	ssyncadd.s32 $0xFFFFC000  }
0x221: {  	[hbm4b:s31+s6] =	stream.strided.scatter [tilespmem:s26], [sflag:$0xC], $0x4000, s10, s6, $0x38;
	[tilespmem:$0x1C080] =	vst v63  }
0x222: {  	_ =	swait.ge [sflag:s5], $0x4000  }
0x223: {  	s31 =	sld [smem:$0x7EB]  }
0x224: {  	[sflag:s5] =	ssyncset.done $0x0  }
0x225: {  	[sflag:s5] =	ssyncadd.s32 $0xFFFFC000  }
0x226: {  	[tilespmem:s15], [sflag:$0x2] =	stream.strided.gather [hbm4b:s31+s6], $0x4000, s10, s6, $0x38;
	[tilespmem:$0x1C080] =	vst v63  }
0x227: {  	_ =	swait.ge [sflag:s28], $0x4000  }
0x228: {  	s31 =	sld [smem:$0x7EC]  }
0x229: {  	[sflag:s28] =	ssyncset.done $0x0  }
0x22a: {  	[sflag:s28] =	ssyncadd.s32 $0xFFFFC000  }
0x22b: {  	[hbm4b:s31+s6] =	stream.strided.scatter [tilespmem:s24], [sflag:$0xD], $0x4000, s10, s6, $0x38;
	[tilespmem:$0x1C080] =	vst v63  }
0x22c: {  	_ =	swait.ge [sflag:s11], $0x4000  }
0x22d: {  	s31 =	sld [smem:$0x7ED]  }
0x22e: {  	[sflag:s11] =	ssyncset.done $0x0  }
0x22f: {  	[sflag:s11] =	ssyncadd.s32 $0xFFFFC000  }
0x230: {  	[tilespmem:s14], [sflag:$0x3] =	stream.strided.gather [hbm4b:s31+s6], $0x4000, s10, s6, $0x38;
	[tilespmem:$0x1C080] =	vst v63  }
0x231: {  	_ =	swait.ge [sflag:s25], $0x4000  }
0x232: {  	s31 =	sld [smem:$0x7EE]  }
0x233: {  	[sflag:s25] =	ssyncset.done $0x0  }
0x234: {  	[sflag:s25] =	ssyncadd.s32 $0xFFFFC000  }
0x235: {  	[hbm4b:s31+s6] =	stream.strided.scatter [tilespmem:s23], [sflag:$0xE], $0x4000, s10, s6, $0x38;
	[tilespmem:$0x1C080] =	vst v63  }
0x236: {  	_ =	swait.ge [sflag:s8], $0x4000  }
0x237: {  	s31 =	sld [smem:$0x7EF]  }
0x238: {  	[sflag:s8] =	ssyncset.done $0x0  }
0x239: {  	[sflag:s8] =	ssyncadd.s32 $0xFFFFC000  }
0x23a: {  	[tilespmem:s13], [sflag:$0x4] =	stream.strided.gather [hbm4b:s31+s6], $0x4000, s10, s6, $0x38;
	[tilespmem:$0x1C080] =	vst v63  }
0x23b: {  	_ =	swait.ge [sflag:s22], $0x4000  }
0x23c: {  	s31 =	sld [smem:$0x7F0]  }
0x23d: {  	[sflag:s22] =	ssyncset.done $0x0  }
0x23e: {  	[sflag:s22] =	ssyncadd.s32 $0xFFFFC000  }
0x23f: {  	[hbm4b:s31+s6] =	stream.strided.scatter [tilespmem:s2], [sflag:$0x8], $0x4000, s10, s6, $0x38;
	[tilespmem:$0x1C080] =	vst v63  }
0x240: {  	_ =	swait.ge [sflag:s21], $0x4000  }
0x241: {  	s31 =	sld [smem:$0x7F1]  }
0x242: {  	[sflag:s21] =	ssyncset.done $0x0  }
0x243: {  	[sflag:s21] =	ssyncadd.s32 $0xFFFFC000  }
0x244: {  	[tilespmem:s26], [sflag:$0x5] =	stream.strided.gather [hbm4b:s31+s6], $0x4000, s10, s6, $0x38;
	[tilespmem:$0x1C080] =	vst v63  }
0x245: {  	_ =	swait.ge [sflag:s19], $0x4000  }
0x246: {  	s31 =	sld [smem:$0x7F2]  }
0x247: {  	[sflag:s19] =	ssyncset.done $0x0  }
0x248: {  	[sflag:s19] =	ssyncadd.s32 $0xFFFFC000  }
0x249: {  	[hbm4b:s31+s6] =	stream.strided.scatter [tilespmem:s15], [sflag:$0x9], $0x4000, s10, s6, $0x38;
	[tilespmem:$0x1C080] =	vst v63  }
0x24a: {  	_ =	swait.ge [sflag:s20], $0x4000  }
0x24b: {  	s31 =	sld [smem:$0x7F3]  }
0x24c: {  	[sflag:s20] =	ssyncset.done $0x0  }
0x24d: {  	[sflag:s20] =	ssyncadd.s32 $0xFFFFC000  }
0x24e: {  	[tilespmem:s24], [sflag:$0x6] =	stream.strided.gather [hbm4b:s31+s6], $0x4000, s10, s6, $0x38;
	[tilespmem:$0x1C080] =	vst v63  }
0x24f: {  	_ =	swait.ge [sflag:s17], $0x4000  }
0x250: {  	s31 =	sld [smem:$0x7F4]  }
0x251: {  	[sflag:s17] =	ssyncset.done $0x0  }
0x252: {  	[sflag:s17] =	ssyncadd.s32 $0xFFFFC000  }
0x253: {  	[hbm4b:s31+s6] =	stream.strided.scatter [tilespmem:s14], [sflag:$0xA], $0x4000, s10, s6, $0x38;
	[tilespmem:$0x1C080] =	vst v63  }
0x254: {  	_ =	swait.ge [sflag:s18], $0x4000  }
0x255: {  	s31 =	sld [smem:$0x7F5]  }
0x256: {  	[sflag:s18] =	ssyncset.done $0x0  }
0x257: {  	[sflag:s18] =	ssyncadd.s32 $0xFFFFC000  }
0x258: {  	[tilespmem:s23], [sflag:$0x7] =	stream.strided.gather [hbm4b:s31+s6], $0x4000, s10, s6, $0x38;
	[tilespmem:$0x1C080] =	vst v63  }
0x259: {  	_ =	swait.ge [sflag:s16], $0x4000  }
0x25a: {  	s31 =	sld [smem:$0x7F6]  }
0x25b: {  	[sflag:s16] =	ssyncset.done $0x0  }
0x25c: {  	[sflag:s16] =	ssyncadd.s32 $0xFFFFC000  }
0x25d: {  	[hbm4b:s31+s6] =	stream.strided.scatter [tilespmem:s13], [sflag:$0xB], $0x4000, s10, s6, $0x38;
	[tilespmem:$0x1C080] =	vst v63  }
0x25e: {  	_ =	swait.ge [sflag:s7], $0x4000  }
0x25f: {  	s31 =	sld [smem:$0x7F7]  }
0x260: {  	[sflag:s7] =	ssyncset.done $0x0  }
0x261: {  	[sflag:s7] =	ssyncadd.s32 $0xFFFFC000  }
0x262: {  	[tilespmem:s2], [sflag:$0x1] =	stream.strided.gather [hbm4b:s31+s6], $0x4000, s10, s6, $0x38;
	[tilespmem:$0x1C080] =	vst v63  }
0x263: {  	_ =	swait.ge [sflag:s29], $0x4000  }
0x264: {  	s31 =	sld [smem:$0x7F8]  }
0x265: {  	[sflag:s29] =	ssyncset.done $0x0  }
0x266: {  	[sflag:s29] =	ssyncadd.s32 $0xFFFFC000  }
0x267: {  	[hbm4b:s31+s6] =	stream.strided.scatter [tilespmem:s26], [sflag:$0xC], $0x4000, s10, s6, $0x38;
	[tilespmem:$0x1C080] =	vst v63  }
0x268: {  	_ =	swait.ge [sflag:s5], $0x4000  }
0x269: {  	s31 =	sld [smem:$0x7F9]  }
0x26a: {  	[sflag:s5] =	ssyncset.done $0x0  }
0x26b: {  	[sflag:s5] =	ssyncadd.s32 $0xFFFFC000  }
0x26c: {  	[tilespmem:s15], [sflag:$0x2] =	stream.strided.gather [hbm4b:s31+s6], $0x4000, s10, s6, $0x38;
	[tilespmem:$0x1C080] =	vst v63  }
0x26d: {  	_ =	swait.ge [sflag:s28], $0x4000  }
0x26e: {  	s31 =	sld [smem:$0x7FA]  }
0x26f: {  	[sflag:s28] =	ssyncset.done $0x0  }
0x270: {  	[sflag:s28] =	ssyncadd.s32 $0xFFFFC000  }
0x271: {  	[hbm4b:s31+s6] =	stream.strided.scatter [tilespmem:s24], [sflag:$0xD], $0x4000, s10, s6, $0x38;
	[tilespmem:$0x1C080] =	vst v63  }
0x272: {  	_ =	swait.ge [sflag:s11], $0x4000  }
0x273: {  	s31 =	sld [smem:$0x7FB]  }
0x274: {  	[sflag:s11] =	ssyncset.done $0x0  }
0x275: {  	[sflag:s11] =	ssyncadd.s32 $0xFFFFC000  }
0x276: {  	[tilespmem:s14], [sflag:$0x3] =	stream.strided.gather [hbm4b:s31+s6], $0x4000, s10, s6, $0x38;
	[tilespmem:$0x1C080] =	vst v63  }
0x277: {  	_ =	swait.ge [sflag:s25], $0x4000  }
0x278: {  	s31 =	sld [smem:$0x7FC]  }
0x279: {  	[sflag:s25] =	ssyncset.done $0x0  }
0x27a: {  	[sflag:s25] =	ssyncadd.s32 $0xFFFFC000  }
0x27b: {  	[hbm4b:s31+s6] =	stream.strided.scatter [tilespmem:s23], [sflag:$0xE], $0x4000, s10, s6, $0x38;
	[tilespmem:$0x1C080] =	vst v63  }
0x27c: {  	_ =	swait.ge [sflag:s8], $0x4000  }
0x27d: {  	s31 =	sld [smem:$0x7FD]  }
0x27e: {  	[sflag:s8] =	ssyncset.done $0x0  }
0x27f: {  	[sflag:s8] =	ssyncadd.s32 $0xFFFFC000  }
0x280: {  	[tilespmem:s13], [sflag:$0x4] =	stream.strided.gather [hbm4b:s31+s6], $0x4000, s10, s6, $0x38;
	[tilespmem:$0x1C080] =	vst v63  }
0x281: {  	_ =	swait.ge [sflag:s22], $0x4000  }
0x282: {  	[sflag:s22] =	ssyncset.done $0x0  }
0x283: {  	[sflag:s22] =	ssyncadd.s32 $0xFFFFC000  }
0x284: {  	[hbm4b:s12+s6] =	stream.strided.scatter [tilespmem:s2], [sflag:$0x8], $0x4000, s10, s6, $0x38;
	[tilespmem:$0x1C080] =	vst v63  }
0x285: {  	_ =	swait.ge [sflag:s19], $0x4000  }
0x286: {  	[sflag:s19] =	ssyncset.done $0x0  }
0x287: {  	[sflag:s19] =	ssyncadd.s32 $0xFFFFC000  }
0x288: {  	[hbm4b:s9+s6] =	stream.strided.scatter [tilespmem:s15], [sflag:$0x9], $0x4000, s10, s6, $0x38;
	[tilespmem:$0x1C080] =	vst v63  }
0x289: {  	_ =	swait.ge [sflag:s17], $0x4000  }
0x28a: {  	[sflag:s17] =	ssyncset.done $0x0  }
0x28b: {  	[sflag:s17] =	ssyncadd.s32 $0xFFFFC000  }
0x28c: {  	[hbm4b:s4+s6] =	stream.strided.scatter [tilespmem:s14], [sflag:$0xA], $0x4000, s10, s6, $0x38;
	[tilespmem:$0x1C080] =	vst v63  }
0x28d: {  	_ =	swait.ge [sflag:s16], $0x4000  }
0x28e: {  	[sflag:s16] =	ssyncset.done $0x0  }
0x28f: {  	[sflag:s16] =	ssyncadd.s32 $0xFFFFC000  }
0x290: {  	[hbm4b:s3+s6] =	stream.strided.scatter [tilespmem:s13], [sflag:$0xB], $0x4000, s10, s6, $0x38;
	[tilespmem:$0x1C080] =	vst v63  }
0x291: {  	_ =	swait.ge [sflag:s21], $0x4000  }
0x292: {  	[sflag:s21] =	ssyncset.done $0x0  }
0x293: {  	[sflag:s21] =	ssyncadd.s32 $0xFFFFC000  }
0x294: {  	_ =	swait.ge [sflag:s20], $0x4000  }
0x295: {  	[sflag:s20] =	ssyncset.done $0x0  }
0x296: {  	[sflag:s20] =	ssyncadd.s32 $0xFFFFC000  }
0x297: {  	_ =	swait.ge [sflag:s18], $0x4000  }
0x298: {  	[sflag:s18] =	ssyncset.done $0x0  }
0x299: {  	[sflag:s18] =	ssyncadd.s32 $0xFFFFC000  }
0x29a: {  	_ =	swait.ge [sflag:s7], $0x4000  }
0x29b: {  	[sflag:s7] =	ssyncset.done $0x0  }
0x29c: {  	[sflag:s7] =	ssyncadd.s32 $0xFFFFC000  }
0x29d: {  	s1 =	sadd.s32 $0xFFFFFFFF, s1;
	_ =	swait.ge [sflag:s5], $0x4000  }
0x29e: {  	p2 =	sne.s32 s1, $0x0;
	[sflag:s5] =	ssyncset.done $0x0  }
.Ltmp2:
0x29f: {  	[sflag:s5] =	ssyncadd.s32 $0xFFFFC000;
	(pc) =	sbr.rel @p2 .LBB2_3-.Ltmp2, $4  }
0x2a0: {  	_ =	swait.ge [sflag:s11], $0x4000  }
0x2a1: {  	[sflag:s11] =	ssyncset.done $0x0  }
0x2a2: {  	[sflag:s11] =	ssyncadd.s32 $0xFFFFC000  }
0x2a3: {  	_ =	swait.ge [sflag:s8], $0x4000  }
0x2a4: {  	s31 =	stileid.u32  }
.LBB2_5:
0x2a5: {  	[sflag:s8] =	ssyncset.done @p1 $0x0  }
0x2a6: {  	s0 =	rddreg [dreg:$0x4];
	s1 =	simm.s32 $0x1C000;
	[sflag:s8] =	ssyncadd.s32 @p1 $0xFFFFC000  }
0x2a7: {  	[tilespmem:s1], [sflag:$0xF] =	stream.linear.gather [hbm4b:s0+s2], $0x1, $0x38;
	[tilespmem:$0x1C080] =	vst v63  }
0x2a8: {  	_ =	swait.ge [sflag:s30], $0x1  }
0x2a9: {  	[sflag:s30] =	ssyncset.done $0x0  }
0x2aa: {  	s0 =	rddreg [dreg:$0x5];
	[sflag:s30] =	ssyncadd.s32 $0xFFFFFFFF  }
0x2ab: {  	[tilespmem:s2], [sflag:$0x1] =	stream.strided.gather [hbm4b:s0+s6], $0x4000, s10, s6, $0x38;
	[tilespmem:$0x1C080] =	vst v63  }
0x2ac: {  	s1 =	rddreg [dreg:$0x6]  }
0x2ad: {  	[tilespmem:s15], [sflag:$0x2] =	stream.strided.gather [hbm4b:s1+s6], $0x4000, s10, s6, $0x38;
	[tilespmem:$0x1C080] =	vst v63  }
0x2ae: {  	s30 =	rddreg [dreg:$0x7]  }
0x2af: {  	[tilespmem:s14], [sflag:$0x3] =	stream.strided.gather [hbm4b:s30+s6], $0x4000, s10, s6, $0x38;
	[tilespmem:$0x1C080] =	vst v63  }
0x2b0: {  	s1 =	rddreg [dreg:$0x8]  }
0x2b1: {  	[tilespmem:s13], [sflag:$0x4] =	stream.strided.gather [hbm4b:s1+s6], $0x4000, s10, s6, $0x38;
	[tilespmem:$0x1C080] =	vst v63  }
0x2b2: {  	s30 =	rddreg [dreg:$0x9]  }
0x2b3: {  	[tilespmem:s26], [sflag:$0x5] =	stream.strided.gather [hbm4b:s30+s6], $0x4000, s10, s6, $0x38;
	[tilespmem:$0x1C080] =	vst v63  }
0x2b4: {  	s1 =	rddreg [dreg:$0xa]  }
0x2b5: {  	[tilespmem:s24], [sflag:$0x6] =	stream.strided.gather [hbm4b:s1+s6], $0x4000, s10, s6, $0x38;
	[tilespmem:$0x1C080] =	vst v63  }
0x2b6: {  	s30 =	rddreg [dreg:$0xb]  }
0x2b7: {  	[tilespmem:s23], [sflag:$0x7] =	stream.strided.gather [hbm4b:s30+s6], $0x4000, s10, s6, $0x38;
	[tilespmem:$0x1C080] =	vst v63  }
0x2b8: {  	_ =	swait.ge [sflag:s22], $0x4000  }
0x2b9: {  	[sflag:s22] =	ssyncset.done $0x0  }
0x2ba: {  	[sflag:s22] =	ssyncadd.s32 $0xFFFFC000  }
0x2bb: {  	v0 =	vld @!p0 [tilespmem:$0x2000]  }
0x2bc: {  	v1 =	vld @!p0 [tilespmem:$0x1C000];
	_ =	sdelay $0x4  }
0x2bd: {  	v0 =	vsel @!p0 vm0, v1, v0  }
0x2be: {  	s1 =	rddreg [dreg:$0xc];
	[tilespmem:$0x2000] =	vst @!p0 v0  }
0x2bf: {  	[hbm4b:s1+s6] =	stream.strided.scatter [tilespmem:s2], [sflag:$0x8], $0x4000, s10, s6, $0x38;
	[tilespmem:$0x1C080] =	vst v63  }
0x2c0: {  	_ =	swait.ge [sflag:s19], $0x4000  }
0x2c1: {  	[sflag:s19] =	ssyncset.done $0x0  }
0x2c2: {  	s30 =	rddreg [dreg:$0xd];
	[sflag:s19] =	ssyncadd.s32 $0xFFFFC000  }
0x2c3: {  	[hbm4b:s30+s6] =	stream.strided.scatter [tilespmem:s15], [sflag:$0x9], $0x4000, s10, s6, $0x38;
	[tilespmem:$0x1C080] =	vst v63  }
0x2c4: {  	_ =	swait.ge [sflag:s17], $0x4000  }
0x2c5: {  	[sflag:s17] =	ssyncset.done $0x0  }
0x2c6: {  	s1 =	rddreg [dreg:$0xe];
	[sflag:s17] =	ssyncadd.s32 $0xFFFFC000  }
0x2c7: {  	[hbm4b:s1+s6] =	stream.strided.scatter [tilespmem:s14], [sflag:$0xA], $0x4000, s10, s6, $0x38;
	[tilespmem:$0x1C080] =	vst v63  }
0x2c8: {  	_ =	swait.ge [sflag:s16], $0x4000  }
0x2c9: {  	[sflag:s16] =	ssyncset.done $0x0  }
0x2ca: {  	s30 =	rddreg [dreg:$0xf];
	[sflag:s16] =	ssyncadd.s32 $0xFFFFC000  }
0x2cb: {  	[hbm4b:s30+s6] =	stream.strided.scatter [tilespmem:s13], [sflag:$0xB], $0x4000, s10, s6, $0x38;
	[tilespmem:$0x1C080] =	vst v63  }
0x2cc: {  	_ =	swait.ge [sflag:s7], $0x4000  }
0x2cd: {  	[sflag:s7] =	ssyncset.done $0x0  }
0x2ce: {  	s1 =	rddreg [dreg:$0x10];
	[sflag:s7] =	ssyncadd.s32 $0xFFFFC000  }
0x2cf: {  	[tilespmem:s2], [sflag:$0x1] =	stream.strided.gather [hbm4b:s1+s6], $0x4000, s10, s6, $0x38;
	[tilespmem:$0x1C080] =	vst v63  }
0x2d0: {  	_ =	swait.ge [sflag:s29], $0x4000  }
0x2d1: {  	[sflag:s29] =	ssyncset.done $0x0  }
0x2d2: {  	s30 =	rddreg [dreg:$0x11];
	[sflag:s29] =	ssyncadd.s32 $0xFFFFC000  }
0x2d3: {  	[hbm4b:s30+s6] =	stream.strided.scatter [tilespmem:s26], [sflag:$0xC], $0x4000, s10, s6, $0x38;
	[tilespmem:$0x1C080] =	vst v63  }
0x2d4: {  	_ =	swait.ge [sflag:s5], $0x4000  }
0x2d5: {  	[sflag:s5] =	ssyncset.done $0x0  }
0x2d6: {  	s1 =	rddreg [dreg:$0x12];
	[sflag:s5] =	ssyncadd.s32 $0xFFFFC000  }
0x2d7: {  	[tilespmem:s15], [sflag:$0x2] =	stream.strided.gather [hbm4b:s1+s6], $0x4000, s10, s6, $0x38;
	[tilespmem:$0x1C080] =	vst v63  }
0x2d8: {  	_ =	swait.ge [sflag:s28], $0x4000  }
0x2d9: {  	[sflag:s28] =	ssyncset.done $0x0  }
0x2da: {  	s30 =	rddreg [dreg:$0x13];
	[sflag:s28] =	ssyncadd.s32 $0xFFFFC000  }
0x2db: {  	[hbm4b:s30+s6] =	stream.strided.scatter [tilespmem:s24], [sflag:$0xD], $0x4000, s10, s6, $0x38;
	[tilespmem:$0x1C080] =	vst v63  }
0x2dc: {  	_ =	swait.ge [sflag:s11], $0x4000  }
0x2dd: {  	[sflag:s11] =	ssyncset.done $0x0  }
0x2de: {  	s1 =	rddreg [dreg:$0x14];
	[sflag:s11] =	ssyncadd.s32 $0xFFFFC000  }
0x2df: {  	[tilespmem:s14], [sflag:$0x3] =	stream.strided.gather [hbm4b:s1+s6], $0x4000, s10, s6, $0x38;
	[tilespmem:$0x1C080] =	vst v63  }
0x2e0: {  	_ =	swait.ge [sflag:s25], $0x4000  }
0x2e1: {  	[sflag:s25] =	ssyncset.done $0x0  }
0x2e2: {  	s30 =	rddreg [dreg:$0x15];
	[sflag:s25] =	ssyncadd.s32 $0xFFFFC000  }
0x2e3: {  	[hbm4b:s30+s6] =	stream.strided.scatter [tilespmem:s23], [sflag:$0xE], $0x4000, s10, s6, $0x38;
	[tilespmem:$0x1C080] =	vst v63  }
0x2e4: {  	_ =	swait.ge [sflag:s8], $0x4000  }
0x2e5: {  	[sflag:s8] =	ssyncset.done $0x0  }
0x2e6: {  	s1 =	rddreg [dreg:$0x16];
	[sflag:s8] =	ssyncadd.s32 $0xFFFFC000  }
0x2e7: {  	[tilespmem:s13], [sflag:$0x4] =	stream.strided.gather [hbm4b:s1+s6], $0x4000, s10, s6, $0x38;
	[tilespmem:$0x1C080] =	vst v63  }
0x2e8: {  	_ =	swait.ge [sflag:s22], $0x4000  }
0x2e9: {  	[sflag:s22] =	ssyncset.done $0x0  }
0x2ea: {  	s30 =	rddreg [dreg:$0x17];
	[sflag:s22] =	ssyncadd.s32 $0xFFFFC000  }
0x2eb: {  	[hbm4b:s30+s6] =	stream.strided.scatter [tilespmem:s2], [sflag:$0x8], $0x4000, s10, s6, $0x38;
	[tilespmem:$0x1C080] =	vst v63  }
0x2ec: {  	_ =	swait.ge [sflag:s21], $0x4000  }
0x2ed: {  	[sflag:s21] =	ssyncset.done $0x0  }
0x2ee: {  	s1 =	rddreg [dreg:$0x18];
	[sflag:s21] =	ssyncadd.s32 $0xFFFFC000  }
0x2ef: {  	[tilespmem:s26], [sflag:$0x5] =	stream.strided.gather [hbm4b:s1+s6], $0x4000, s10, s6, $0x38;
	[tilespmem:$0x1C080] =	vst v63  }
0x2f0: {  	_ =	swait.ge [sflag:s19], $0x4000  }
0x2f1: {  	[sflag:s19] =	ssyncset.done $0x0  }
0x2f2: {  	s30 =	rddreg [dreg:$0x19];
	[sflag:s19] =	ssyncadd.s32 $0xFFFFC000  }
0x2f3: {  	[hbm4b:s30+s6] =	stream.strided.scatter [tilespmem:s15], [sflag:$0x9], $0x4000, s10, s6, $0x38;
	[tilespmem:$0x1C080] =	vst v63  }
0x2f4: {  	_ =	swait.ge [sflag:s20], $0x4000  }
0x2f5: {  	[sflag:s20] =	ssyncset.done $0x0  }
0x2f6: {  	s1 =	rddreg [dreg:$0x1a];
	[sflag:s20] =	ssyncadd.s32 $0xFFFFC000  }
0x2f7: {  	[tilespmem:s24], [sflag:$0x6] =	stream.strided.gather [hbm4b:s1+s6], $0x4000, s10, s6, $0x38;
	[tilespmem:$0x1C080] =	vst v63  }
0x2f8: {  	_ =	swait.ge [sflag:s17], $0x4000  }
0x2f9: {  	[sflag:s17] =	ssyncset.done $0x0  }
0x2fa: {  	s30 =	rddreg [dreg:$0x1b];
	[sflag:s17] =	ssyncadd.s32 $0xFFFFC000  }
0x2fb: {  	[hbm4b:s30+s6] =	stream.strided.scatter [tilespmem:s14], [sflag:$0xA], $0x4000, s10, s6, $0x38;
	[tilespmem:$0x1C080] =	vst v63  }
0x2fc: {  	_ =	swait.ge [sflag:s18], $0x4000  }
0x2fd: {  	[sflag:s18] =	ssyncset.done $0x0  }
0x2fe: {  	s1 =	rddreg [dreg:$0x1c];
	[sflag:s18] =	ssyncadd.s32 $0xFFFFC000  }
0x2ff: {  	[tilespmem:s23], [sflag:$0x7] =	stream.strided.gather [hbm4b:s1+s6], $0x4000, s10, s6, $0x38;
	[tilespmem:$0x1C080] =	vst v63  }
0x300: {  	_ =	swait.ge [sflag:s16], $0x4000  }
0x301: {  	[sflag:s16] =	ssyncset.done $0x0  }
0x302: {  	s30 =	rddreg [dreg:$0x1d];
	[sflag:s16] =	ssyncadd.s32 $0xFFFFC000  }
0x303: {  	[hbm4b:s30+s6] =	stream.strided.scatter [tilespmem:s13], [sflag:$0xB], $0x4000, s10, s6, $0x38;
	[tilespmem:$0x1C080] =	vst v63  }
0x304: {  	_ =	swait.ge [sflag:s7], $0x4000  }
0x305: {  	[sflag:s7] =	ssyncset.done $0x0  }
0x306: {  	s1 =	rddreg [dreg:$0x1e];
	[sflag:s7] =	ssyncadd.s32 $0xFFFFC000  }
0x307: {  	[tilespmem:s2], [sflag:$0x1] =	stream.strided.gather [hbm4b:s1+s6], $0x4000, s10, s6, $0x38;
	[tilespmem:$0x1C080] =	vst v63  }
0x308: {  	_ =	swait.ge [sflag:s29], $0x4000  }
0x309: {  	[sflag:s29] =	ssyncset.done $0x0  }
0x30a: {  	s30 =	rddreg [dreg:$0x1f];
	[sflag:s29] =	ssyncadd.s32 $0xFFFFC000  }
0x30b: {  	[hbm4b:s30+s6] =	stream.strided.scatter [tilespmem:s26], [sflag:$0xC], $0x4000, s10, s6, $0x38;
	[tilespmem:$0x1C080] =	vst v63  }
0x30c: {  	_ =	swait.ge [sflag:s5], $0x4000  }
0x30d: {  	s1 =	sld [smem:$0x7DD]  }
0x30e: {  	[sflag:s5] =	ssyncset.done $0x0  }
0x30f: {  	[sflag:s5] =	ssyncadd.s32 $0xFFFFC000  }
0x310: {  	[tilespmem:s15], [sflag:$0x2] =	stream.strided.gather [hbm4b:s1+s6], $0x4000, s10, s6, $0x38;
	[tilespmem:$0x1C080] =	vst v63  }
0x311: {  	_ =	swait.ge [sflag:s28], $0x4000  }
0x312: {  	s30 =	sld [smem:$0x7DE]  }
0x313: {  	[sflag:s28] =	ssyncset.done $0x0  }
0x314: {  	[sflag:s28] =	ssyncadd.s32 $0xFFFFC000  }
0x315: {  	[hbm4b:s30+s6] =	stream.strided.scatter [tilespmem:s24], [sflag:$0xD], $0x4000, s10, s6, $0x38;
	[tilespmem:$0x1C080] =	vst v63  }
0x316: {  	_ =	swait.ge [sflag:s11], $0x4000  }
0x317: {  	s1 =	sld [smem:$0x7DF]  }
0x318: {  	[sflag:s11] =	ssyncset.done $0x0  }
0x319: {  	[sflag:s11] =	ssyncadd.s32 $0xFFFFC000  }
0x31a: {  	[tilespmem:s14], [sflag:$0x3] =	stream.strided.gather [hbm4b:s1+s6], $0x4000, s10, s6, $0x38;
	[tilespmem:$0x1C080] =	vst v63  }
0x31b: {  	_ =	swait.ge [sflag:s25], $0x4000  }
0x31c: {  	s30 =	sld [smem:$0x7E0]  }
0x31d: {  	[sflag:s25] =	ssyncset.done $0x0  }
0x31e: {  	[sflag:s25] =	ssyncadd.s32 $0xFFFFC000  }
0x31f: {  	[hbm4b:s30+s6] =	stream.strided.scatter [tilespmem:s23], [sflag:$0xE], $0x4000, s10, s6, $0x38;
	[tilespmem:$0x1C080] =	vst v63  }
0x320: {  	_ =	swait.ge [sflag:s8], $0x4000  }
0x321: {  	s1 =	sld [smem:$0x7E1]  }
0x322: {  	[sflag:s8] =	ssyncset.done $0x0  }
0x323: {  	[sflag:s8] =	ssyncadd.s32 $0xFFFFC000  }
0x324: {  	[tilespmem:s13], [sflag:$0x4] =	stream.strided.gather [hbm4b:s1+s6], $0x4000, s10, s6, $0x38;
	[tilespmem:$0x1C080] =	vst v63  }
0x325: {  	_ =	swait.ge [sflag:s22], $0x4000  }
0x326: {  	s30 =	sld [smem:$0x7E2]  }
0x327: {  	[sflag:s22] =	ssyncset.done $0x0  }
0x328: {  	[sflag:s22] =	ssyncadd.s32 $0xFFFFC000  }
0x329: {  	[hbm4b:s30+s6] =	stream.strided.scatter [tilespmem:s2], [sflag:$0x8], $0x4000, s10, s6, $0x38;
	[tilespmem:$0x1C080] =	vst v63  }
0x32a: {  	_ =	swait.ge [sflag:s21], $0x4000  }
0x32b: {  	s1 =	sld [smem:$0x7E3]  }
0x32c: {  	[sflag:s21] =	ssyncset.done $0x0  }
0x32d: {  	[sflag:s21] =	ssyncadd.s32 $0xFFFFC000  }
0x32e: {  	[tilespmem:s26], [sflag:$0x5] =	stream.strided.gather [hbm4b:s1+s6], $0x4000, s10, s6, $0x38;
	[tilespmem:$0x1C080] =	vst v63  }
0x32f: {  	_ =	swait.ge [sflag:s19], $0x4000  }
0x330: {  	s30 =	sld [smem:$0x7E4]  }
0x331: {  	[sflag:s19] =	ssyncset.done $0x0  }
0x332: {  	[sflag:s19] =	ssyncadd.s32 $0xFFFFC000  }
0x333: {  	[hbm4b:s30+s6] =	stream.strided.scatter [tilespmem:s15], [sflag:$0x9], $0x4000, s10, s6, $0x38;
	[tilespmem:$0x1C080] =	vst v63  }
0x334: {  	_ =	swait.ge [sflag:s20], $0x4000  }
0x335: {  	s1 =	sld [smem:$0x7E5]  }
0x336: {  	[sflag:s20] =	ssyncset.done $0x0  }
0x337: {  	[sflag:s20] =	ssyncadd.s32 $0xFFFFC000  }
0x338: {  	[tilespmem:s24], [sflag:$0x6] =	stream.strided.gather [hbm4b:s1+s6], $0x4000, s10, s6, $0x38;
	[tilespmem:$0x1C080] =	vst v63  }
0x339: {  	_ =	swait.ge [sflag:s17], $0x4000  }
0x33a: {  	s30 =	sld [smem:$0x7E6]  }
0x33b: {  	[sflag:s17] =	ssyncset.done $0x0  }
0x33c: {  	[sflag:s17] =	ssyncadd.s32 $0xFFFFC000  }
0x33d: {  	[hbm4b:s30+s6] =	stream.strided.scatter [tilespmem:s14], [sflag:$0xA], $0x4000, s10, s6, $0x38;
	[tilespmem:$0x1C080] =	vst v63  }
0x33e: {  	_ =	swait.ge [sflag:s18], $0x4000  }
0x33f: {  	s1 =	sld [smem:$0x7E7]  }
0x340: {  	[sflag:s18] =	ssyncset.done $0x0  }
0x341: {  	[sflag:s18] =	ssyncadd.s32 $0xFFFFC000  }
0x342: {  	[tilespmem:s23], [sflag:$0x7] =	stream.strided.gather [hbm4b:s1+s6], $0x4000, s10, s6, $0x38;
	[tilespmem:$0x1C080] =	vst v63  }
0x343: {  	_ =	swait.ge [sflag:s16], $0x4000  }
0x344: {  	s30 =	sld [smem:$0x7E8]  }
0x345: {  	[sflag:s16] =	ssyncset.done $0x0  }
0x346: {  	[sflag:s16] =	ssyncadd.s32 $0xFFFFC000  }
0x347: {  	[hbm4b:s30+s6] =	stream.strided.scatter [tilespmem:s13], [sflag:$0xB], $0x4000, s10, s6, $0x38;
	[tilespmem:$0x1C080] =	vst v63  }
0x348: {  	_ =	swait.ge [sflag:s7], $0x4000  }
0x349: {  	s1 =	sld [smem:$0x7E9]  }
0x34a: {  	[sflag:s7] =	ssyncset.done $0x0  }
0x34b: {  	[sflag:s7] =	ssyncadd.s32 $0xFFFFC000  }
0x34c: {  	[tilespmem:s2], [sflag:$0x1] =	stream.strided.gather [hbm4b:s1+s6], $0x4000, s10, s6, $0x38;
	[tilespmem:$0x1C080] =	vst v63  }
0x34d: {  	_ =	swait.ge [sflag:s29], $0x4000  }
0x34e: {  	s30 =	sld [smem:$0x7EA]  }
0x34f: {  	[sflag:s29] =	ssyncset.done $0x0  }
0x350: {  	[sflag:s29] =	ssyncadd.s32 $0xFFFFC000  }
0x351: {  	[hbm4b:s30+s6] =	stream.strided.scatter [tilespmem:s26], [sflag:$0xC], $0x4000, s10, s6, $0x38;
	[tilespmem:$0x1C080] =	vst v63  }
0x352: {  	_ =	swait.ge [sflag:s5], $0x4000  }
0x353: {  	s1 =	sld [smem:$0x7EB]  }
0x354: {  	[sflag:s5] =	ssyncset.done $0x0  }
0x355: {  	[sflag:s5] =	ssyncadd.s32 $0xFFFFC000  }
0x356: {  	[tilespmem:s15], [sflag:$0x2] =	stream.strided.gather [hbm4b:s1+s6], $0x4000, s10, s6, $0x38;
	[tilespmem:$0x1C080] =	vst v63  }
0x357: {  	_ =	swait.ge [sflag:s28], $0x4000  }
0x358: {  	s30 =	sld [smem:$0x7EC]  }
0x359: {  	[sflag:s28] =	ssyncset.done $0x0  }
0x35a: {  	[sflag:s28] =	ssyncadd.s32 $0xFFFFC000  }
0x35b: {  	[hbm4b:s30+s6] =	stream.strided.scatter [tilespmem:s24], [sflag:$0xD], $0x4000, s10, s6, $0x38;
	[tilespmem:$0x1C080] =	vst v63  }
0x35c: {  	_ =	swait.ge [sflag:s11], $0x4000  }
0x35d: {  	s1 =	sld [smem:$0x7ED]  }
0x35e: {  	[sflag:s11] =	ssyncset.done $0x0  }
0x35f: {  	[sflag:s11] =	ssyncadd.s32 $0xFFFFC000  }
0x360: {  	[tilespmem:s14], [sflag:$0x3] =	stream.strided.gather [hbm4b:s1+s6], $0x4000, s10, s6, $0x38;
	[tilespmem:$0x1C080] =	vst v63  }
0x361: {  	_ =	swait.ge [sflag:s25], $0x4000  }
0x362: {  	s30 =	sld [smem:$0x7EE]  }
0x363: {  	[sflag:s25] =	ssyncset.done $0x0  }
0x364: {  	[sflag:s25] =	ssyncadd.s32 $0xFFFFC000  }
0x365: {  	[hbm4b:s30+s6] =	stream.strided.scatter [tilespmem:s23], [sflag:$0xE], $0x4000, s10, s6, $0x38;
	[tilespmem:$0x1C080] =	vst v63  }
0x366: {  	_ =	swait.ge [sflag:s8], $0x4000  }
0x367: {  	s1 =	sld [smem:$0x7EF]  }
0x368: {  	[sflag:s8] =	ssyncset.done $0x0  }
0x369: {  	[sflag:s8] =	ssyncadd.s32 $0xFFFFC000  }
0x36a: {  	[tilespmem:s13], [sflag:$0x4] =	stream.strided.gather [hbm4b:s1+s6], $0x4000, s10, s6, $0x38;
	[tilespmem:$0x1C080] =	vst v63  }
0x36b: {  	_ =	swait.ge [sflag:s22], $0x4000  }
0x36c: {  	s30 =	sld [smem:$0x7F0]  }
0x36d: {  	[sflag:s22] =	ssyncset.done $0x0  }
0x36e: {  	[sflag:s22] =	ssyncadd.s32 $0xFFFFC000  }
0x36f: {  	[hbm4b:s30+s6] =	stream.strided.scatter [tilespmem:s2], [sflag:$0x8], $0x4000, s10, s6, $0x38;
	[tilespmem:$0x1C080] =	vst v63  }
0x370: {  	_ =	swait.ge [sflag:s21], $0x4000  }
0x371: {  	s1 =	sld [smem:$0x7F1]  }
0x372: {  	[sflag:s21] =	ssyncset.done $0x0  }
0x373: {  	[sflag:s21] =	ssyncadd.s32 $0xFFFFC000  }
0x374: {  	[tilespmem:s26], [sflag:$0x5] =	stream.strided.gather [hbm4b:s1+s6], $0x4000, s10, s6, $0x38;
	[tilespmem:$0x1C080] =	vst v63  }
0x375: {  	_ =	swait.ge [sflag:s19], $0x4000  }
0x376: {  	s30 =	sld [smem:$0x7F2]  }
0x377: {  	[sflag:s19] =	ssyncset.done $0x0  }
0x378: {  	[sflag:s19] =	ssyncadd.s32 $0xFFFFC000  }
0x379: {  	[hbm4b:s30+s6] =	stream.strided.scatter [tilespmem:s15], [sflag:$0x9], $0x4000, s10, s6, $0x38;
	[tilespmem:$0x1C080] =	vst v63  }
0x37a: {  	_ =	swait.ge [sflag:s20], $0x4000  }
0x37b: {  	s1 =	sld [smem:$0x7F3]  }
0x37c: {  	[sflag:s20] =	ssyncset.done $0x0  }
0x37d: {  	[sflag:s20] =	ssyncadd.s32 $0xFFFFC000  }
0x37e: {  	[tilespmem:s24], [sflag:$0x6] =	stream.strided.gather [hbm4b:s1+s6], $0x4000, s10, s6, $0x38;
	[tilespmem:$0x1C080] =	vst v63  }
0x37f: {  	_ =	swait.ge [sflag:s17], $0x4000  }
0x380: {  	s30 =	sld [smem:$0x7F4]  }
0x381: {  	[sflag:s17] =	ssyncset.done $0x0  }
0x382: {  	[sflag:s17] =	ssyncadd.s32 $0xFFFFC000  }
0x383: {  	[hbm4b:s30+s6] =	stream.strided.scatter [tilespmem:s14], [sflag:$0xA], $0x4000, s10, s6, $0x38;
	[tilespmem:$0x1C080] =	vst v63  }
0x384: {  	_ =	swait.ge [sflag:s18], $0x4000  }
0x385: {  	s1 =	sld [smem:$0x7F5]  }
0x386: {  	[sflag:s18] =	ssyncset.done $0x0  }
0x387: {  	[sflag:s18] =	ssyncadd.s32 $0xFFFFC000  }
0x388: {  	[tilespmem:s23], [sflag:$0x7] =	stream.strided.gather [hbm4b:s1+s6], $0x4000, s10, s6, $0x38;
	[tilespmem:$0x1C080] =	vst v63  }
0x389: {  	_ =	swait.ge [sflag:s16], $0x4000  }
0x38a: {  	s30 =	sld [smem:$0x7F6]  }
0x38b: {  	[sflag:s16] =	ssyncset.done $0x0  }
0x38c: {  	[sflag:s16] =	ssyncadd.s32 $0xFFFFC000  }
0x38d: {  	[hbm4b:s30+s6] =	stream.strided.scatter [tilespmem:s13], [sflag:$0xB], $0x4000, s10, s6, $0x38;
	[tilespmem:$0x1C080] =	vst v63  }
0x38e: {  	_ =	swait.ge [sflag:s7], $0x4000  }
0x38f: {  	s1 =	sld [smem:$0x7F7]  }
0x390: {  	[sflag:s7] =	ssyncset.done $0x0  }
0x391: {  	[sflag:s7] =	ssyncadd.s32 $0xFFFFC000  }
0x392: {  	[tilespmem:s2], [sflag:$0x1] =	stream.strided.gather [hbm4b:s1+s6], $0x4000, s10, s6, $0x38;
	[tilespmem:$0x1C080] =	vst v63  }
0x393: {  	_ =	swait.ge [sflag:s29], $0x4000  }
0x394: {  	s30 =	sld [smem:$0x7F8]  }
0x395: {  	[sflag:s29] =	ssyncset.done $0x0  }
0x396: {  	[sflag:s29] =	ssyncadd.s32 $0xFFFFC000  }
0x397: {  	[hbm4b:s30+s6] =	stream.strided.scatter [tilespmem:s26], [sflag:$0xC], $0x4000, s10, s6, $0x38;
	[tilespmem:$0x1C080] =	vst v63  }
0x398: {  	_ =	swait.ge [sflag:s5], $0x4000  }
0x399: {  	s1 =	sld [smem:$0x7F9]  }
0x39a: {  	[sflag:s5] =	ssyncset.done $0x0  }
0x39b: {  	[sflag:s5] =	ssyncadd.s32 $0xFFFFC000  }
0x39c: {  	[tilespmem:s15], [sflag:$0x2] =	stream.strided.gather [hbm4b:s1+s6], $0x4000, s10, s6, $0x38;
	[tilespmem:$0x1C080] =	vst v63  }
0x39d: {  	_ =	swait.ge [sflag:s28], $0x4000  }
0x39e: {  	s26 =	sld [smem:$0x7FA]  }
0x39f: {  	[sflag:s28] =	ssyncset.done $0x0  }
0x3a0: {  	[sflag:s28] =	ssyncadd.s32 $0xFFFFC000  }
0x3a1: {  	[hbm4b:s26+s6] =	stream.strided.scatter [tilespmem:s24], [sflag:$0xD], $0x4000, s10, s6, $0x38;
	[tilespmem:$0x1C080] =	vst v63  }
0x3a2: {  	_ =	swait.ge [sflag:s11], $0x4000  }
0x3a3: {  	s28 =	sld [smem:$0x7FB]  }
0x3a4: {  	[sflag:s11] =	ssyncset.done $0x0  }
0x3a5: {  	[sflag:s11] =	ssyncadd.s32 $0xFFFFC000  }
0x3a6: {  	[tilespmem:s14], [sflag:$0x3] =	stream.strided.gather [hbm4b:s28+s6], $0x4000, s10, s6, $0x38;
	[tilespmem:$0x1C080] =	vst v63  }
0x3a7: {  	_ =	swait.ge [sflag:s25], $0x4000  }
0x3a8: {  	s29 =	sld [smem:$0x7FC]  }
0x3a9: {  	[sflag:s25] =	ssyncset.done $0x0  }
0x3aa: {  	[sflag:s25] =	ssyncadd.s32 $0xFFFFC000  }
0x3ab: {  	[hbm4b:s29+s6] =	stream.strided.scatter [tilespmem:s23], [sflag:$0xE], $0x4000, s10, s6, $0x38;
	[tilespmem:$0x1C080] =	vst v63  }
0x3ac: {  	_ =	swait.ge [sflag:s8], $0x4000  }
0x3ad: {  	s30 =	sld [smem:$0x7FD]  }
0x3ae: {  	[sflag:s8] =	ssyncset.done $0x0  }
0x3af: {  	[sflag:s8] =	ssyncadd.s32 $0xFFFFC000  }
0x3b0: {  	[tilespmem:s13], [sflag:$0x4] =	stream.strided.gather [hbm4b:s30+s6], $0x4000, s10, s6, $0x38;
	[tilespmem:$0x1C080] =	vst v63  }
0x3b1: {  	_ =	swait.ge [sflag:s22], $0x4000  }
0x3b2: {  	[sflag:s22] =	ssyncset.done $0x0  }
0x3b3: {  	[sflag:s22] =	ssyncadd.s32 $0xFFFFC000  }
0x3b4: {  	[hbm4b:s12+s6] =	stream.strided.scatter [tilespmem:s2], [sflag:$0x8], $0x4000, s10, s6, $0x38;
	[tilespmem:$0x1C080] =	vst v63  }
0x3b5: {  	_ =	swait.ge [sflag:s19], $0x4000  }
0x3b6: {  	[sflag:s19] =	ssyncset.done $0x0  }
0x3b7: {  	[sflag:s19] =	ssyncadd.s32 $0xFFFFC000  }
0x3b8: {  	[hbm4b:s9+s6] =	stream.strided.scatter [tilespmem:s15], [sflag:$0x9], $0x4000, s10, s6, $0x38;
	[tilespmem:$0x1C080] =	vst v63  }
0x3b9: {  	_ =	swait.ge [sflag:s17], $0x4000  }
0x3ba: {  	[sflag:s17] =	ssyncset.done $0x0  }
0x3bb: {  	[sflag:s17] =	ssyncadd.s32 $0xFFFFC000  }
0x3bc: {  	[hbm4b:s4+s6] =	stream.strided.scatter [tilespmem:s14], [sflag:$0xA], $0x4000, s10, s6, $0x38;
	[tilespmem:$0x1C080] =	vst v63  }
0x3bd: {  	_ =	swait.ge [sflag:s16], $0x4000  }
0x3be: {  	[sflag:s16] =	ssyncset.done $0x0  }
0x3bf: {  	[sflag:s16] =	ssyncadd.s32 $0xFFFFC000  }
0x3c0: {  	[hbm4b:s3+s6] =	stream.strided.scatter [tilespmem:s13], [sflag:$0xB], $0x4000, s10, s6, $0x38;
	[tilespmem:$0x1C080] =	vst v63  }
0x3c1: {  	_ =	swait.ge [sflag:s21], $0x4000  }
0x3c2: {  	[sflag:s21] =	ssyncset.done $0x0  }
0x3c3: {  	[sflag:s21] =	ssyncadd.s32 $0xFFFFC000  }
0x3c4: {  	_ =	swait.ge [sflag:s20], $0x4000  }
0x3c5: {  	[sflag:s20] =	ssyncset.done $0x0  }
0x3c6: {  	[sflag:s20] =	ssyncadd.s32 $0xFFFFC000  }
0x3c7: {  	_ =	swait.ge [sflag:s18], $0x4000  }
0x3c8: {  	[sflag:s18] =	ssyncset.done $0x0  }
0x3c9: {  	[sflag:s18] =	ssyncadd.s32 $0xFFFFC000  }
0x3ca: {  	_ =	swait.ge [sflag:s7], $0x4000  }
0x3cb: {  	[sflag:s7] =	ssyncset.done $0x0  }
0x3cc: {  	[sflag:s7] =	ssyncadd.s32 $0xFFFFC000  }
0x3cd: {  	_ =	swait.ge [sflag:s5], $0x4000  }
0x3ce: {  	[sflag:s5] =	ssyncset.done $0x0  }
0x3cf: {  	[sflag:s5] =	ssyncadd.s32 $0xFFFFC000  }
0x3d0: {  	_ =	swait.ge [sflag:s11], $0x4000  }
0x3d1: {  	[sflag:s11] =	ssyncset.done $0x0  }
0x3d2: {  	[sflag:s11] =	ssyncadd.s32 $0xFFFFC000  }
0x3d3: {  	_ =	swait.ge [sflag:s8], $0x4000  }
0x3d4: {  	[sflag:s8] =	ssyncset.done $0x0  }
0x3d5: {  	[sflag:s8] =	ssyncadd.s32 $0xFFFFC000  }
0x3d6: {  	_ =	sfence.sel $0x180000  }
0x3d7: {  	[bflag:$0x0] =	sbarrier.arrive $0xFFFF  }
0x3d8: {  	_ =	strace $0x90000047  }
0x3d9: {  	[bflag:$0x2] =	sbarrier.arrive $0xFFFF  }
0x3da: {  	p0 =	sne.s32 s31, $0x0;
	s0 =	rddreg [dreg:$0x3]  }
0x3db: {  	s0 =	sadd.s32 @!p0 $0x100000, s0  }
0x3dc: {  	[sflag:s0] =	ssyncadd.tile.s32 @!p0 $0x1;
	_ =	shalt  }
.LBB2_2:
.Ltmp3:
0x3dd: {  	(pc) =	sbr.rel .LBB2_5-.Ltmp3, $2  }
0x3de: {  	_ =	sdelay $0x2  }
0x3df: {  	s31 =	stileid.u32  }
.Lfunc_end2:
_tile_overlayer_lowered:
.L_overlay_start_2:
0x3e0: {  	(tag) =	ssettag $0x2  }
0x3e1: {  	s0 =	rddreg [dreg:$0x0];
	s2 =	stileid.u32  }
0x3e2: {  	s1 =	rddreg [dreg:$0x1];
	p0 =	sne.s32 s2, $0x0  }
0x3e3: {  	s3 =	rddreg [dreg:$0x2];
	[bflag:$0x3] =	sbarrier.arrive $0xFFFF;
	s2 =	simm.s32 @!p0 $0x1C0F  }
0x3e4: {  	[timem:s3], [sflag:s2] =	dma.local @!p0 [hbm:s0], s1  }
0x3e5: {  	s0 =	simm.s32 @!p0 $0xF  }
0x3e6: {  	_ =	swait.ge @!p0 [sflag:s0], s1  }
0x3e7: {  	s1 =	ssub.s32 @!p0 $0x0, s1;
	[sflag:s0] =	ssyncset.done @!p0 $0x0  }
0x3e8: {  	[sflag:s0] =	ssyncadd.s32 @!p0 s1  }
0x3e9: {  	[bflag:$0x3] =	sbarrier.arrive $0xFFFF  }
0x3ea: {  	_ =	shalt  }

</sc_bundles>
